<compile_context>
chip_gen: v7x
topology: tpu7x:2x2x1
jax: 0.10.2.dev20260603
libtpu: 0.0.44.dev20260713+nightly
codegen_flags: <defaults>
</compile_context>

<pallas_src>
import functools

import jax
import jax.numpy as jnp
from jax import lax
from jax.experimental import pallas as pl
from jax.experimental.pallas import tpu as pltpu
from jax.experimental.pallas import tpu_sc as plsc

N_NODES = 10000
N_EDGES = 320000
DIM = 128
DEGW = 16
NPAD = 10016
CHUNK = 64
EROWS = N_EDGES // CHUNK
NCH = 157
ROWS_PER_TILE = NPAD // 16
BM = 2000

_mesh = plsc.VectorSubcoreMesh(core_axis_name="c", subcore_axis_name="s")


@functools.partial(
    pl.kernel,
    out_type=[
        jax.ShapeDtypeStruct((NPAD, DIM), jnp.float32),
        jax.ShapeDtypeStruct((NPAD, DIM), jnp.float32),
        jax.ShapeDtypeStruct((NPAD, DEGW), jnp.float32),
        jax.ShapeDtypeStruct((NPAD, DEGW), jnp.float32),
    ],
    mesh=_mesh,
    compiler_params=pltpu.CompilerParams(use_tc_tiling_on_sc=False),
    scratch_types=[
        pltpu.VMEM_SHARED((NPAD, DIM), jnp.float32),
        pltpu.VMEM_SHARED((NPAD, DEGW), jnp.float32),
        pltpu.VMEM((NCH, CHUNK), jnp.int32),
        pltpu.VMEM((NCH, CHUNK), jnp.int32),
        pltpu.VMEM((CHUNK, DIM), jnp.float32),
        pltpu.VMEM((CHUNK, DIM), jnp.float32),
        pltpu.VMEM((CHUNK, DEGW), jnp.float32),
        pltpu.VMEM((CHUNK,), jnp.int32),
        pltpu.SemaphoreType.DMA,
        pltpu.SemaphoreType.DMA,
        pltpu.SemaphoreType.DMA,
        pltpu.SemaphoreType.DMA,
    ],
)
def _segsum_sc(x, ei, zh, zd, h0, h1, d0, d1, acch, accd, sidx, didx, b0, b1,
               ones, jidx, sg0, sg1, sa0, sd0):
    c = lax.axis_index("c")
    s = lax.axis_index("s")
    wid = s * 2 + c
    my_base = s * ROWS_PER_TILE
    myrows = pl.ds(my_base, ROWS_PER_TILE)

    base_raw = wid * NCH
    nch = jnp.minimum(NCH, EROWS - base_raw)
    base = jnp.minimum(base_raw, EROWS - NCH)
    skew = base_raw - base

    pltpu.async_copy(ei.at[0].at[pl.ds(base, NCH)], sidx, sg0)
    pltpu.async_copy(ei.at[1].at[pl.ds(base, NCH)], didx, sg1)
    pltpu.async_copy(zh.at[myrows], acch.at[myrows], sa0)
    pltpu.async_copy(zd.at[myrows], accd.at[myrows], sd0)

    ones16 = jnp.ones((16,), jnp.float32)

    def fillones(r, carry):
        ones[r, :] = ones16
        return carry

    lax.fori_loop(0, CHUNK, fillones, 0)

    pltpu.make_async_copy(zh.at[myrows], acch.at[myrows], sa0).wait()
    pltpu.make_async_copy(zd.at[myrows], accd.at[myrows], sd0).wait()
    plsc.subcore_barrier()
    pltpu.make_async_copy(ei.at[0].at[pl.ds(base, NCH)], sidx, sg0).wait()
    pltpu.make_async_copy(ei.at[1].at[pl.ds(base, NCH)], didx, sg1).wait()

    def gat(k, buf, sem):
        pltpu.async_copy(x.at[sidx.at[skew + k]], buf, sem)

    def gat_wait(k, buf, sem):
        pltpu.make_async_copy(x.at[sidx.at[skew + k]], buf, sem).wait()

    def deg_wait():
        pltpu.make_async_copy(ones, accd.at[jidx], sd0).wait()

    iota16 = lax.iota(jnp.int32, 16)
    for cc in range(CHUNK // 16):
        jidx[pl.ds(cc * 16, 16)] = N_NODES + iota16

    pltpu.async_copy(ones, accd.at[jidx], sd0, add=True)

    gat(0, b0, sg0)
    gat(1, b1, sg1)

    def body(i, carry):
        k = 2 * i
        gat_wait(k, b0, sg0)
        pltpu.sync_copy(b0, acch.at[didx.at[skew + k]], add=True)
        deg_wait()
        pltpu.async_copy(ones, accd.at[didx.at[skew + k]], sd0, add=True)

        @pl.when(k + 2 < nch)
        def _():
            gat(k + 2, b0, sg0)

        gat_wait(k + 1, b1, sg1)
        pltpu.sync_copy(b1, acch.at[didx.at[skew + k + 1]], add=True)
        deg_wait()
        pltpu.async_copy(ones, accd.at[didx.at[skew + k + 1]], sd0, add=True)

        @pl.when(k + 3 < nch)
        def _():
            gat(k + 3, b1, sg1)

        return carry

    lax.fori_loop(0, nch // 2, body, 0)

    @pl.when(nch % 2 == 1)
    def _():
        last = nch - 1
        gat_wait(last, b0, sg0)
        pltpu.sync_copy(b0, acch.at[didx.at[skew + last]], add=True)
        deg_wait()
        pltpu.async_copy(ones, accd.at[didx.at[skew + last]], sd0, add=True)

    deg_wait()
    plsc.subcore_barrier()

    @pl.when(c == 0)
    def _():
        pltpu.async_copy(acch.at[myrows], h0.at[myrows], sa0)
        pltpu.async_copy(accd.at[myrows], d0.at[myrows], sd0)
        pltpu.make_async_copy(acch.at[myrows], h0.at[myrows], sa0).wait()
        pltpu.make_async_copy(accd.at[myrows], d0.at[myrows], sd0).wait()

    @pl.when(c == 1)
    def _():
        pltpu.async_copy(acch.at[myrows], h1.at[myrows], sa0)
        pltpu.async_copy(accd.at[myrows], d1.at[myrows], sd0)
        pltpu.make_async_copy(acch.at[myrows], h1.at[myrows], sa0).wait()
        pltpu.make_async_copy(accd.at[myrows], d1.at[myrows], sd0).wait()


def _combine_body(p0_ref, p1_ref, d0_ref, d1_ref, x_ref, w_ref, b_ref,
                  f_ref, ssq_ref):
    hsum = p0_ref[...] + p1_ref[...]
    deg = jnp.sum(d0_ref[...] + d1_ref[...], axis=1, keepdims=True) * (1.0 / DEGW)
    deg = jnp.maximum(deg, 1.0)
    h = hsum / deg
    w13 = w_ref[:DIM, :] + w_ref[2 * DIM:, :]
    w2 = w_ref[DIM:2 * DIM, :]
    z = jnp.dot(x_ref[...], w13, preferred_element_type=jnp.float32,
                precision=lax.Precision.HIGHEST)
    z = z + jnp.dot(h, w2, preferred_element_type=jnp.float32,
                    precision=lax.Precision.HIGHEST)
    f = jnp.tanh(z + b_ref[...])
    f_ref[...] = f

    blk = jnp.sum(f * f)[None, None]

    @pl.when(pl.program_id(0) == 0)
    def _():
        ssq_ref[...] = blk

    @pl.when(pl.program_id(0) > 0)
    def _():
        ssq_ref[...] = ssq_ref[...] + blk


def _scale_body(f_ref, ssq_ref, o_ref):
    o_ref[...] = f_ref[...] * lax.rsqrt(ssq_ref[...])


def kernel(x, edge_index, W, b):
    x = x.astype(jnp.float32)
    ei = edge_index.astype(jnp.int32).reshape(2, EROWS, CHUNK)

    zh = jnp.zeros((NPAD, DIM), jnp.float32)
    zd = jnp.zeros((NPAD, DEGW), jnp.float32)
    p0, p1, d0, d1 = _segsum_sc(x, ei, zh, zd)

    grid = N_NODES // BM
    f, ssq = pl.pallas_call(
        _combine_body,
        grid=(grid,),
        in_specs=[
            pl.BlockSpec((BM, DIM), lambda i: (i, 0)),
            pl.BlockSpec((BM, DIM), lambda i: (i, 0)),
            pl.BlockSpec((BM, DEGW), lambda i: (i, 0)),
            pl.BlockSpec((BM, DEGW), lambda i: (i, 0)),
            pl.BlockSpec((BM, DIM), lambda i: (i, 0)),
            pl.BlockSpec((3 * DIM, DIM), lambda i: (0, 0)),
            pl.BlockSpec((1, DIM), lambda i: (0, 0)),
        ],
        out_specs=[
            pl.BlockSpec((BM, DIM), lambda i: (i, 0)),
            pl.BlockSpec((1, 1), lambda i: (0, 0)),
        ],
        out_shape=[
            jax.ShapeDtypeStruct((N_NODES, DIM), jnp.float32),
            jax.ShapeDtypeStruct((1, 1), jnp.float32),
        ],
    )(p0, p1, d0, d1, x, W, b.reshape(1, DIM))

    out = pl.pallas_call(
        _scale_body,
        grid=(grid,),
        in_specs=[
            pl.BlockSpec((BM, DIM), lambda i: (i, 0)),
            pl.BlockSpec((1, 1), lambda i: (0, 0)),
        ],
        out_specs=pl.BlockSpec((BM, DIM), lambda i: (i, 0)),
        out_shape=jax.ShapeDtypeStruct((N_NODES, DIM), jnp.float32),
    )(f, ssq)
    return out

# --- scband reference (transcript-rebuilt; emitter-appended) ---
"""Pipeline reference for scband-gnn-21328807592482 (READ-ONLY COPY).

The authoritative reference and input builder live on the scoring server;
editing this copy changes nothing except your own understanding.
"""

import jax, jax.numpy as jnp
import numpy as np

N_NODES = 10000
N_EDGES = 320000
INP_DIM = 128
OUT_DIM = 128


def setup_inputs(seed: int = 0) -> dict:
    key = jax.random.key(seed)
    k1, k2, k3, k4 = jax.random.split(key, 4)
    x = jax.random.normal(k1, (N_NODES, INP_DIM), dtype=jnp.float32)
    edge_index = jax.random.randint(k2, (2, N_EDGES), 0, N_NODES, dtype=jnp.int64)
    # FC_w: Linear(3*inp_dim -> out_dim), xavier_uniform with relu gain
    gain = float(np.sqrt(2.0))
    fan_in, fan_out = 3 * INP_DIM, OUT_DIM
    bound = gain * float(np.sqrt(6.0 / (fan_in + fan_out)))
    W = jax.random.uniform(k3, (3 * INP_DIM, OUT_DIM), minval=-bound, maxval=bound, dtype=jnp.float32)
    b = jax.random.uniform(k4, (OUT_DIM,), minval=-1.0 / np.sqrt(fan_in), maxval=1.0 / np.sqrt(fan_in), dtype=jnp.float32)
    return {"x": x, "edge_index": edge_index, "W": W, "b": b}


def reference(x, edge_index, W, b):
    # DGL graph decomposed into node features x and edge_index [2, E] (src, dst).
    src = edge_index[0]
    dst = edge_index[1]
    n = x.shape[0]
    # in-degree for mean reducer (DGL mean gives 0 for isolated nodes; clamp avoids nan)
    deg = jax.ops.segment_sum(jnp.ones((src.shape[0],), dtype=jnp.float32), dst, num_segments=n)
    deg = jnp.clip(deg, 1.0)[:, None]

    def mean_agg(feat):
        # update_all(fn.copy_u('features','m'), fn.mean('m','h'))
        s = jax.ops.segment_sum(feat[src], dst, num_segments=n)
        return s / deg

    # Layer 0: features <- x; h <- mean of neighbor features (h is recomputed
    # identically at layer 1 before first use, so one evaluation is faithful math).
    features = x
    # Layer 1: recompute h, then concat / linear / tanh / global-L2 normalize.
    h = mean_agg(features)
    concat_ftrs = jnp.concatenate([features, h, x], axis=1)
    ftrs = concat_ftrs @ W + b
    ftrs = jnp.tanh(ftrs)
    # torch.norm(ftrs, p=2) is the scalar Frobenius norm over the whole tensor
    ftrs = ftrs / jnp.linalg.norm(ftrs)
    return ftrs

if __name__ == "__main__":
    import jax
    _d = setup_inputs()
    print(jax.jit(kernel)(*tuple(_d.values())))

</pallas_src>

<mosaic_0001>
#map = affine_map<(d0, d1) -> (0, 0)>
#map1 = affine_map<(d0, d1) -> (0, 0, 0)>
module attributes {stable_mosaic.version = 14 : i64} {
  func.func @_segsum_sc(%arg0: i32, %arg1: i32, %arg2: memref<10000x128xf32, #tpu.memory_space<hbm>>, %arg3: memref<2x5000x64xi32, #tpu.memory_space<hbm>>, %arg4: memref<10016x128xf32, #tpu.memory_space<hbm>>, %arg5: memref<10016x16xf32, #tpu.memory_space<hbm>>, %arg6: memref<10016x128xf32, #tpu.memory_space<hbm>>, %arg7: memref<10016x128xf32, #tpu.memory_space<hbm>>, %arg8: memref<10016x16xf32, #tpu.memory_space<hbm>>, %arg9: memref<10016x16xf32, #tpu.memory_space<hbm>>, %arg10: memref<10016x128xf32, #tpu.memory_space<vmem_shared>>, %arg11: memref<10016x16xf32, #tpu.memory_space<vmem_shared>>, %arg12: memref<157x64xi32, #tpu.memory_space<vmem>>, %arg13: memref<157x64xi32, #tpu.memory_space<vmem>>, %arg14: memref<64x128xf32, #tpu.memory_space<vmem>>, %arg15: memref<64x128xf32, #tpu.memory_space<vmem>>, %arg16: memref<64x16xf32, #tpu.memory_space<vmem>>, %arg17: memref<64xi32, #tpu.memory_space<vmem>>, %arg18: memref<!tpu.dma_semaphore, #tpu.memory_space<semaphore_mem>>, %arg19: memref<!tpu.dma_semaphore, #tpu.memory_space<semaphore_mem>>, %arg20: memref<!tpu.dma_semaphore, #tpu.memory_space<semaphore_mem>>, %arg21: memref<!tpu.dma_semaphore, #tpu.memory_space<semaphore_mem>>) attributes {dimension_semantics = [#tpu.dimension_semantics<core_parallel>, #tpu.dimension_semantics<subcore_parallel>], iteration_bounds = array<i64: 2, 16>, scalar_prefetch = 0 : i64, scratch_operands = 12 : i64, tpu.core_type = #tpu.core_type<sc_vector_subcore>, window_params = [{transform_indices = #map}, {transform_indices = #map1}, {transform_indices = #map}, {transform_indices = #map}, {transform_indices = #map}, {transform_indices = #map}, {transform_indices = #map}, {transform_indices = #map}]} {
    %mul3A = arith.constant 2 : i32
    %mul3A_0 = arith.muli %arg1, %mul3A : i32
    %add3A = arith.addi %mul3A_0, %arg0 : i32
    %mul3A_1 = arith.constant 626 : i32
    %mul3A_2 = arith.muli %arg1, %mul3A_1 : i32
    %mul3A_3 = arith.constant 157 : i32
    %mul3A_4 = arith.muli %add3A, %mul3A_3 : i32
    %sub3A = arith.constant 5000 : i32
    %sub3A_5 = arith.subi %sub3A, %mul3A_4 : i32
    %min3A = arith.constant 157 : i32
    %min3A_6 = arith.minsi %min3A, %sub3A_5 : i32
    %min3A_7 = arith.constant 4843 : i32
    %min3A_8 = arith.minsi %mul3A_4, %min3A_7 : i32
    %sub3A_9 = arith.subi %mul3A_4, %min3A_8 : i32
    %dma_start3A = arith.constant 0 : i32
    %dma_start3A_10 = arith.constant 0 : i32
    %dma_start3A_11 = arith.constant 0 : i32
    %dma_start3A_12 = tpu.memref_slice %arg3[%dma_start3A, %dma_start3A_10, %dma_start3A_11] : memref<2x5000x64xi32, #tpu.memory_space<hbm>> -> memref<1x5000x64xi32, #tpu.memory_space<hbm>>
    %dma_start3A_13 = tpu.memref_squeeze %dma_start3A_12 : memref<1x5000x64xi32, #tpu.memory_space<hbm>> -> memref<5000x64xi32, #tpu.memory_space<hbm>>
    %dma_start3A_14 = arith.constant 0 : i32
    %dma_start3A_15 = tpu.memref_slice %dma_start3A_13[%min3A_8, %dma_start3A_14] : memref<5000x64xi32, #tpu.memory_space<hbm>> -> memref<157x64xi32, #tpu.memory_space<hbm>>
    %dma_start3A_16 = arith.constant 0 : i32
    %dma_start3A_17 = arith.constant 0 : i32
    %dma_start3A_18 = tpu.memref_slice %arg3[%dma_start3A, %dma_start3A_16, %dma_start3A_17] : memref<2x5000x64xi32, #tpu.memory_space<hbm>> -> memref<1x5000x64xi32, #tpu.memory_space<hbm>>
    %dma_start3A_19 = tpu.memref_squeeze %dma_start3A_18 : memref<1x5000x64xi32, #tpu.memory_space<hbm>> -> memref<5000x64xi32, #tpu.memory_space<hbm>>
    %dma_start3A_20 = arith.constant 0 : i32
    %dma_start3A_21 = tpu.memref_slice %dma_start3A_19[%min3A_8, %dma_start3A_20] : memref<5000x64xi32, #tpu.memory_space<hbm>> -> memref<157x64xi32, #tpu.memory_space<hbm>>
    tpu.enqueue_dma source(%dma_start3A_21 : memref<157x64xi32, #tpu.memory_space<hbm>>) target(%arg12 : memref<157x64xi32, #tpu.memory_space<vmem>>) target_semaphore(%arg18 : memref<!tpu.dma_semaphore, #tpu.memory_space<semaphore_mem>>)
    %dma_start3A_22 = arith.constant 1 : i32
    %dma_start3A_23 = arith.constant 0 : i32
    %dma_start3A_24 = arith.constant 0 : i32
    %dma_start3A_25 = tpu.memref_slice %arg3[%dma_start3A_22, %dma_start3A_23, %dma_start3A_24] : memref<2x5000x64xi32, #tpu.memory_space<hbm>> -> memref<1x5000x64xi32, #tpu.memory_space<hbm>>
    %dma_start3A_26 = tpu.memref_squeeze %dma_start3A_25 : memref<1x5000x64xi32, #tpu.memory_space<hbm>> -> memref<5000x64xi32, #tpu.memory_space<hbm>>
    %dma_start3A_27 = arith.constant 0 : i32
    %dma_start3A_28 = tpu.memref_slice %dma_start3A_26[%min3A_8, %dma_start3A_27] : memref<5000x64xi32, #tpu.memory_space<hbm>> -> memref<157x64xi32, #tpu.memory_space<hbm>>
    %dma_start3A_29 = arith.constant 0 : i32
    %dma_start3A_30 = arith.constant 0 : i32
    %dma_start3A_31 = tpu.memref_slice %arg3[%dma_start3A_22, %dma_start3A_29, %dma_start3A_30] : memref<2x5000x64xi32, #tpu.memory_space<hbm>> -> memref<1x5000x64xi32, #tpu.memory_space<hbm>>
    %dma_start3A_32 = tpu.memref_squeeze %dma_start3A_31 : memref<1x5000x64xi32, #tpu.memory_space<hbm>> -> memref<5000x64xi32, #tpu.memory_space<hbm>>
    %dma_start3A_33 = arith.constant 0 : i32
    %dma_start3A_34 = tpu.memref_slice %dma_start3A_32[%min3A_8, %dma_start3A_33] : memref<5000x64xi32, #tpu.memory_space<hbm>> -> memref<157x64xi32, #tpu.memory_space<hbm>>
    tpu.enqueue_dma source(%dma_start3A_34 : memref<157x64xi32, #tpu.memory_space<hbm>>) target(%arg13 : memref<157x64xi32, #tpu.memory_space<vmem>>) target_semaphore(%arg19 : memref<!tpu.dma_semaphore, #tpu.memory_space<semaphore_mem>>)
    %dma_start3A_35 = arith.constant 0 : i32
    %dma_start3A_36 = tpu.memref_slice %arg10[%mul3A_2, %dma_start3A_35] : memref<10016x128xf32, #tpu.memory_space<vmem_shared>> -> memref<626x128xf32, #tpu.memory_space<vmem_shared>>
    %dma_start3A_37 = arith.constant 0 : i32
    %dma_start3A_38 = tpu.memref_slice %arg4[%mul3A_2, %dma_start3A_37] : memref<10016x128xf32, #tpu.memory_space<hbm>> -> memref<626x128xf32, #tpu.memory_space<hbm>>
    tpu.enqueue_dma source(%dma_start3A_38 : memref<626x128xf32, #tpu.memory_space<hbm>>) target(%dma_start3A_36 : memref<626x128xf32, #tpu.memory_space<vmem_shared>>) target_semaphore(%arg20 : memref<!tpu.dma_semaphore, #tpu.memory_space<semaphore_mem>>)
    %dma_start3A_39 = arith.constant 0 : i32
    %dma_start3A_40 = tpu.memref_slice %arg11[%mul3A_2, %dma_start3A_39] : memref<10016x16xf32, #tpu.memory_space<vmem_shared>> -> memref<626x16xf32, #tpu.memory_space<vmem_shared>>
    %dma_start3A_41 = arith.constant 0 : i32
    %dma_start3A_42 = tpu.memref_slice %arg5[%mul3A_2, %dma_start3A_41] : memref<10016x16xf32, #tpu.memory_space<hbm>> -> memref<626x16xf32, #tpu.memory_space<hbm>>
    tpu.enqueue_dma source(%dma_start3A_42 : memref<626x16xf32, #tpu.memory_space<hbm>>) target(%dma_start3A_40 : memref<626x16xf32, #tpu.memory_space<vmem_shared>>) target_semaphore(%arg21 : memref<!tpu.dma_semaphore, #tpu.memory_space<semaphore_mem>>)
    %broadcast_in_dim3A = arith.constant 1.000000e+00 : f32
    %broadcast_in_dim3A_43 = vector.broadcast %broadcast_in_dim3A : f32 to vector<16xf32>
    %scan3A = arith.constant 0 : i32
    %scan3A_44 = arith.constant 0 : i32
    %scan3A_45 = arith.constant 64 : i32
    %scan3A_46 = arith.addi %scan3A_44, %scan3A_45 : i32
    %scan3A_47 = arith.constant 1 : i32
    scf.for %scan3A_185 = %scan3A_44 to %scan3A_46 step %scan3A_47  : i32 {
      %swap3A_186 = arith.index_cast %scan3A_185 : i32 to index
      %swap3A_187 = arith.constant 0 : index
      %swap3A_188 = tpu.vector_load %arg16[%swap3A_186, %swap3A_187] {strides = array<i32>} : memref<64x16xf32, #tpu.memory_space<vmem>>, vector<1x16xf32>,
      %swap3A_189 = vector.shape_cast %swap3A_188 : vector<1x16xf32> to vector<16xf32>
      %swap3A_190 = vector.shape_cast %broadcast_in_dim3A_43 : vector<16xf32> to vector<1x16xf32>
      tpu.vector_store %arg16[%swap3A_186, %swap3A_187], %swap3A_190 {strides = array<i32>} : memref<64x16xf32, #tpu.memory_space<vmem>>, vector<1x16xf32>,
    }
    %scan3A_48 = arith.constant 64 : i32
    %dma_wait3A = arith.constant 0 : i32
    %dma_wait3A_49 = tpu.memref_slice %arg10[%mul3A_2, %dma_wait3A] : memref<10016x128xf32, #tpu.memory_space<vmem_shared>> -> memref<626x128xf32, #tpu.memory_space<vmem_shared>>
    %dma_wait3A_50 = arith.constant 0 : i32
    %dma_wait3A_51 = tpu.memref_slice %arg4[%mul3A_2, %dma_wait3A_50] : memref<10016x128xf32, #tpu.memory_space<hbm>> -> memref<626x128xf32, #tpu.memory_space<hbm>>
    tpu.wait_dma2 semaphore(%arg20 : memref<!tpu.dma_semaphore, #tpu.memory_space<semaphore_mem>>) src(%dma_wait3A_51 : memref<626x128xf32, #tpu.memory_space<hbm>>) dst(%dma_wait3A_49 : memref<626x128xf32, #tpu.memory_space<vmem_shared>>)
    %dma_wait3A_52 = arith.constant 0 : i32
    %dma_wait3A_53 = tpu.memref_slice %arg11[%mul3A_2, %dma_wait3A_52] : memref<10016x16xf32, #tpu.memory_space<vmem_shared>> -> memref<626x16xf32, #tpu.memory_space<vmem_shared>>
    %dma_wait3A_54 = arith.constant 0 : i32
    %dma_wait3A_55 = tpu.memref_slice %arg5[%mul3A_2, %dma_wait3A_54] : memref<10016x16xf32, #tpu.memory_space<hbm>> -> memref<626x16xf32, #tpu.memory_space<hbm>>
    tpu.wait_dma2 semaphore(%arg21 : memref<!tpu.dma_semaphore, #tpu.memory_space<semaphore_mem>>) src(%dma_wait3A_55 : memref<626x16xf32, #tpu.memory_space<hbm>>) dst(%dma_wait3A_53 : memref<626x16xf32, #tpu.memory_space<vmem_shared>>)
    %barrier3A = arith.constant 0 : index
    tpu.barrier barrier_id(%barrier3A)
    %dma_wait3A_56 = arith.constant 0 : i32
    %dma_wait3A_57 = arith.constant 0 : i32
    %dma_wait3A_58 = arith.constant 0 : i32
    %dma_wait3A_59 = tpu.memref_slice %arg3[%dma_wait3A_56, %dma_wait3A_57, %dma_wait3A_58] : memref<2x5000x64xi32, #tpu.memory_space<hbm>> -> memref<1x5000x64xi32, #tpu.memory_space<hbm>>
    %dma_wait3A_60 = tpu.memref_squeeze %dma_wait3A_59 : memref<1x5000x64xi32, #tpu.memory_space<hbm>> -> memref<5000x64xi32, #tpu.memory_space<hbm>>
    %dma_wait3A_61 = arith.constant 0 : i32
    %dma_wait3A_62 = tpu.memref_slice %dma_wait3A_60[%min3A_8, %dma_wait3A_61] : memref<5000x64xi32, #tpu.memory_space<hbm>> -> memref<157x64xi32, #tpu.memory_space<hbm>>
    %dma_wait3A_63 = arith.constant 0 : i32
    %dma_wait3A_64 = arith.constant 0 : i32
    %dma_wait3A_65 = tpu.memref_slice %arg3[%dma_wait3A_56, %dma_wait3A_63, %dma_wait3A_64] : memref<2x5000x64xi32, #tpu.memory_space<hbm>> -> memref<1x5000x64xi32, #tpu.memory_space<hbm>>
    %dma_wait3A_66 = tpu.memref_squeeze %dma_wait3A_65 : memref<1x5000x64xi32, #tpu.memory_space<hbm>> -> memref<5000x64xi32, #tpu.memory_space<hbm>>
    %dma_wait3A_67 = arith.constant 0 : i32
    %dma_wait3A_68 = tpu.memref_slice %dma_wait3A_66[%min3A_8, %dma_wait3A_67] : memref<5000x64xi32, #tpu.memory_space<hbm>> -> memref<157x64xi32, #tpu.memory_space<hbm>>
    tpu.wait_dma2 semaphore(%arg18 : memref<!tpu.dma_semaphore, #tpu.memory_space<semaphore_mem>>) src(%dma_wait3A_68 : memref<157x64xi32, #tpu.memory_space<hbm>>) dst(%arg12 : memref<157x64xi32, #tpu.memory_space<vmem>>)
    %dma_wait3A_69 = arith.constant 1 : i32
    %dma_wait3A_70 = arith.constant 0 : i32
    %dma_wait3A_71 = arith.constant 0 : i32
    %dma_wait3A_72 = tpu.memref_slice %arg3[%dma_wait3A_69, %dma_wait3A_70, %dma_wait3A_71] : memref<2x5000x64xi32, #tpu.memory_space<hbm>> -> memref<1x5000x64xi32, #tpu.memory_space<hbm>>
    %dma_wait3A_73 = tpu.memref_squeeze %dma_wait3A_72 : memref<1x5000x64xi32, #tpu.memory_space<hbm>> -> memref<5000x64xi32, #tpu.memory_space<hbm>>
    %dma_wait3A_74 = arith.constant 0 : i32
    %dma_wait3A_75 = tpu.memref_slice %dma_wait3A_73[%min3A_8, %dma_wait3A_74] : memref<5000x64xi32, #tpu.memory_space<hbm>> -> memref<157x64xi32, #tpu.memory_space<hbm>>
    %dma_wait3A_76 = arith.constant 0 : i32
    %dma_wait3A_77 = arith.constant 0 : i32
    %dma_wait3A_78 = tpu.memref_slice %arg3[%dma_wait3A_69, %dma_wait3A_76, %dma_wait3A_77] : memref<2x5000x64xi32, #tpu.memory_space<hbm>> -> memref<1x5000x64xi32, #tpu.memory_space<hbm>>
    %dma_wait3A_79 = tpu.memref_squeeze %dma_wait3A_78 : memref<1x5000x64xi32, #tpu.memory_space<hbm>> -> memref<5000x64xi32, #tpu.memory_space<hbm>>
    %dma_wait3A_80 = arith.constant 0 : i32
    %dma_wait3A_81 = tpu.memref_slice %dma_wait3A_79[%min3A_8, %dma_wait3A_80] : memref<5000x64xi32, #tpu.memory_space<hbm>> -> memref<157x64xi32, #tpu.memory_space<hbm>>
    tpu.wait_dma2 semaphore(%arg19 : memref<!tpu.dma_semaphore, #tpu.memory_space<semaphore_mem>>) src(%dma_wait3A_81 : memref<157x64xi32, #tpu.memory_space<hbm>>) dst(%arg13 : memref<157x64xi32, #tpu.memory_space<vmem>>)
    %iota3A = tpu.iota {dimensions = array<i32: 0>} : vector<16xi32>
    %add3A_82 = arith.constant 10000 : i32
    %add3A_83 = vector.broadcast %add3A_82 : i32 to vector<16xi32>
    %add3A_84 = arith.addi %add3A_83, %iota3A : vector<16xi32>
    %swap3A = arith.constant 0 : index
    %swap3A_85 = tpu.vector_load %arg17[%swap3A] {strides = array<i32>} : memref<64xi32, #tpu.memory_space<vmem>>, vector<16xi32>,
    %swap3A_86 = vector.shape_cast %swap3A_85 : vector<16xi32> to vector<16xi32>
    %swap3A_87 = vector.shape_cast %add3A_84 : vector<16xi32> to vector<16xi32>
    tpu.vector_store %arg17[%swap3A], %swap3A_87 {strides = array<i32>} : memref<64xi32, #tpu.memory_space<vmem>>, vector<16xi32>,
    %add3A_88 = arith.constant 10000 : i32
    %add3A_89 = vector.broadcast %add3A_88 : i32 to vector<16xi32>
    %add3A_90 = arith.addi %add3A_89, %iota3A : vector<16xi32>
    %swap3A_91 = arith.constant 16 : index
    %swap3A_92 = tpu.vector_load %arg17[%swap3A_91] {strides = array<i32>} : memref<64xi32, #tpu.memory_space<vmem>>, vector<16xi32>,
    %swap3A_93 = vector.shape_cast %swap3A_92 : vector<16xi32> to vector<16xi32>
    %swap3A_94 = vector.shape_cast %add3A_90 : vector<16xi32> to vector<16xi32>
    tpu.vector_store %arg17[%swap3A_91], %swap3A_94 {strides = array<i32>} : memref<64xi32, #tpu.memory_space<vmem>>, vector<16xi32>,
    %add3A_95 = arith.constant 10000 : i32
    %add3A_96 = vector.broadcast %add3A_95 : i32 to vector<16xi32>
    %add3A_97 = arith.addi %add3A_96, %iota3A : vector<16xi32>
    %swap3A_98 = arith.constant 32 : index
    %swap3A_99 = tpu.vector_load %arg17[%swap3A_98] {strides = array<i32>} : memref<64xi32, #tpu.memory_space<vmem>>, vector<16xi32>,
    %swap3A_100 = vector.shape_cast %swap3A_99 : vector<16xi32> to vector<16xi32>
    %swap3A_101 = vector.shape_cast %add3A_97 : vector<16xi32> to vector<16xi32>
    tpu.vector_store %arg17[%swap3A_98], %swap3A_101 {strides = array<i32>} : memref<64xi32, #tpu.memory_space<vmem>>, vector<16xi32>,
    %add3A_102 = arith.constant 10000 : i32
    %add3A_103 = vector.broadcast %add3A_102 : i32 to vector<16xi32>
    %add3A_104 = arith.addi %add3A_103, %iota3A : vector<16xi32>
    %swap3A_105 = arith.constant 48 : index
    %swap3A_106 = tpu.vector_load %arg17[%swap3A_105] {strides = array<i32>} : memref<64xi32, #tpu.memory_space<vmem>>, vector<16xi32>,
    %swap3A_107 = vector.shape_cast %swap3A_106 : vector<16xi32> to vector<16xi32>
    %swap3A_108 = vector.shape_cast %add3A_104 : vector<16xi32> to vector<16xi32>
    tpu.vector_store %arg17[%swap3A_105], %swap3A_108 {strides = array<i32>} : memref<64xi32, #tpu.memory_space<vmem>>, vector<16xi32>,
    %dma_start3A_109 = arith.constant 0 : i32
    %dma_start3A_110 = arith.constant 0 : i32
    %dma_start3A_111 = tpu.memref_slice %arg11[%dma_start3A_109, %dma_start3A_110] : memref<10016x16xf32, #tpu.memory_space<vmem_shared>> -> memref<10016x16xf32, #tpu.memory_space<vmem_shared>>
    tpu.enqueue_indirect_dma source(%arg16 : memref<64x16xf32, #tpu.memory_space<vmem>>) target(%dma_start3A_111 : memref<10016x16xf32, #tpu.memory_space<vmem_shared>>) offsets(%arg17 : memref<64xi32, #tpu.memory_space<vmem>>) semaphore(%arg21 : memref<!tpu.dma_semaphore, #tpu.memory_space<semaphore_mem>>) {add = true}
    %add3A_112 = arith.constant 0 : i32
    %add3A_113 = arith.addi %sub3A_9, %add3A_112 : i32
    %dma_start3A_114 = arith.constant 0 : i32
    %dma_start3A_115 = tpu.memref_slice %arg12[%add3A_113, %dma_start3A_114] : memref<157x64xi32, #tpu.memory_space<vmem>> -> memref<1x64xi32, #tpu.memory_space<vmem>>
    %dma_start3A_116 = tpu.memref_squeeze %dma_start3A_115 : memref<1x64xi32, #tpu.memory_space<vmem>> -> memref<64xi32, #tpu.memory_space<vmem>>
    %dma_start3A_117 = arith.constant 0 : i32
    %dma_start3A_118 = arith.constant 0 : i32
    %dma_start3A_119 = tpu.memref_slice %arg2[%dma_start3A_117, %dma_start3A_118] : memref<10000x128xf32, #tpu.memory_space<hbm>> -> memref<10000x128xf32, #tpu.memory_space<hbm>>
    tpu.enqueue_indirect_dma source(%dma_start3A_119 : memref<10000x128xf32, #tpu.memory_space<hbm>>) target(%arg14 : memref<64x128xf32, #tpu.memory_space<vmem>>) offsets(%dma_start3A_116 : memref<64xi32, #tpu.memory_space<vmem>>) semaphore(%arg18 : memref<!tpu.dma_semaphore, #tpu.memory_space<semaphore_mem>>)
    %add3A_120 = arith.constant 1 : i32
    %add3A_121 = arith.addi %sub3A_9, %add3A_120 : i32
    %dma_start3A_122 = arith.constant 0 : i32
    %dma_start3A_123 = tpu.memref_slice %arg12[%add3A_121, %dma_start3A_122] : memref<157x64xi32, #tpu.memory_space<vmem>> -> memref<1x64xi32, #tpu.memory_space<vmem>>
    %dma_start3A_124 = tpu.memref_squeeze %dma_start3A_123 : memref<1x64xi32, #tpu.memory_space<vmem>> -> memref<64xi32, #tpu.memory_space<vmem>>
    %dma_start3A_125 = arith.constant 0 : i32
    %dma_start3A_126 = arith.constant 0 : i32
    %dma_start3A_127 = tpu.memref_slice %arg2[%dma_start3A_125, %dma_start3A_126] : memref<10000x128xf32, #tpu.memory_space<hbm>> -> memref<10000x128xf32, #tpu.memory_space<hbm>>
    tpu.enqueue_indirect_dma source(%dma_start3A_127 : memref<10000x128xf32, #tpu.memory_space<hbm>>) target(%arg15 : memref<64x128xf32, #tpu.memory_space<vmem>>) offsets(%dma_start3A_124 : memref<64xi32, #tpu.memory_space<vmem>>) semaphore(%arg19 : memref<!tpu.dma_semaphore, #tpu.memory_space<semaphore_mem>>)
    %jit3A = arith.constant 2 : i32
    %div3A = arith.divsi %min3A_6, %jit3A : i32
    %sign3A = arith.constant 0 : i32
    %sign3A_128 = arith.cmpi sgt, %min3A_6, %sign3A : i32
    %sign3A_129 = arith.extui %sign3A_128 : i1 to i32
    %sign3A_130 = arith.constant 0 : i32
    %sign3A_131 = arith.cmpi slt, %min3A_6, %sign3A_130 : i32
    %sign3A_132 = arith.extui %sign3A_131 : i1 to i32
    %sign3A_133 = arith.subi %sign3A_129, %sign3A_132 : i32
    %sign3A_134 = arith.constant 0 : i32
    %sign3A_135 = arith.cmpi sgt, %jit3A, %sign3A_134 : i32
    %sign3A_136 = arith.extui %sign3A_135 : i1 to i32
    %sign3A_137 = arith.constant 0 : i32
    %sign3A_138 = arith.cmpi slt, %jit3A, %sign3A_137 : i32
    %sign3A_139 = arith.extui %sign3A_138 : i1 to i32
    %sign3A_140 = arith.subi %sign3A_136, %sign3A_139 : i32
    %ne3A = arith.cmpi ne, %sign3A_133, %sign3A_140 : i32
    %rem3A = arith.remsi %min3A_6, %jit3A : i32
    %ne3A_141 = arith.constant 0 : i32
    %ne3A_142 = arith.cmpi ne, %rem3A, %ne3A_141 : i32
    %and3A = arith.andi %ne3A, %ne3A_142 : i1
    %sub3A_143 = arith.constant 1 : i32
    %sub3A_144 = arith.subi %div3A, %sub3A_143 : i32
    %select_n3A = arith.select %and3A, %sub3A_144, %div3A : i32
    %while3A = arith.constant 0 : i32
    %while3A_145 = arith.constant 0 : i32
    %while3A_146 = arith.subi %select_n3A, %while3A_145 : i32
    %while3A_147 = arith.addi %while3A_145, %while3A_146 : i32
    %while3A_148 = arith.constant 1 : i32
    %while3A_149 = arith.divsi %while3A_146, %while3A_148 : i32
    %while3A_150 = arith.muli %while3A_149, %while3A_148 : i32
    %while3A_151 = arith.addi %while3A_145, %while3A_150 : i32
    %while3A_152 = arith.constant 1 : i32
    scf.for %while3A_185 = %while3A_145 to %while3A_151 step %while3A_152  : i32 {
      %mul3A_186 = arith.constant 2 : i32
      %mul3A_187 = arith.muli %mul3A_186, %while3A_185 : i32
      %add3A_188 = arith.addi %sub3A_9, %mul3A_187 : i32
      %dma_wait3A_189 = arith.constant 0 : i32
      %dma_wait3A_190 = tpu.memref_slice %arg12[%add3A_188, %dma_wait3A_189] : memref<157x64xi32, #tpu.memory_space<vmem>> -> memref<1x64xi32, #tpu.memory_space<vmem>>
      %dma_wait3A_191 = tpu.memref_squeeze %dma_wait3A_190 : memref<1x64xi32, #tpu.memory_space<vmem>> -> memref<64xi32, #tpu.memory_space<vmem>>
      %dma_wait3A_192 = arith.constant 0 : i32
      %dma_wait3A_193 = arith.constant 0 : i32
      %dma_wait3A_194 = tpu.memref_slice %arg2[%dma_wait3A_192, %dma_wait3A_193] : memref<10000x128xf32, #tpu.memory_space<hbm>> -> memref<10000x128xf32, #tpu.memory_space<hbm>>
      tpu.wait_indirect_dma semaphore(%arg18 : memref<!tpu.dma_semaphore, #tpu.memory_space<semaphore_mem>>) src(%dma_wait3A_194 : memref<10000x128xf32, #tpu.memory_space<hbm>>) dst(%arg14 : memref<64x128xf32, #tpu.memory_space<vmem>>)
      %add3A_195 = arith.addi %sub3A_9, %mul3A_187 : i32
      "tpu.region"() ({
        %run_scoped3A = tpu.sem_alloc : memref<!tpu.dma_semaphore, #tpu.memory_space<semaphore_mem>>
        %dma_start3A_242 = arith.constant 0 : i32
        %dma_start3A_243 = tpu.memref_slice %arg13[%add3A_195, %dma_start3A_242] : memref<157x64xi32, #tpu.memory_space<vmem>> -> memref<1x64xi32, #tpu.memory_space<vmem>>
        %dma_start3A_244 = tpu.memref_squeeze %dma_start3A_243 : memref<1x64xi32, #tpu.memory_space<vmem>> -> memref<64xi32, #tpu.memory_space<vmem>>
        %dma_start3A_245 = arith.constant 0 : i32
        %dma_start3A_246 = arith.constant 0 : i32
        %dma_start3A_247 = tpu.memref_slice %arg10[%dma_start3A_245, %dma_start3A_246] : memref<10016x128xf32, #tpu.memory_space<vmem_shared>> -> memref<10016x128xf32, #tpu.memory_space<vmem_shared>>
        tpu.enqueue_indirect_dma source(%arg14 : memref<64x128xf32, #tpu.memory_space<vmem>>) target(%dma_start3A_247 : memref<10016x128xf32, #tpu.memory_space<vmem_shared>>) offsets(%dma_start3A_244 : memref<64xi32, #tpu.memory_space<vmem>>) semaphore(%run_scoped3A : memref<!tpu.dma_semaphore, #tpu.memory_space<semaphore_mem>>) {add = true}
        %dma_wait3A_248 = arith.constant 0 : i32
        %dma_wait3A_249 = tpu.memref_slice %arg13[%add3A_195, %dma_wait3A_248] : memref<157x64xi32, #tpu.memory_space<vmem>> -> memref<1x64xi32, #tpu.memory_space<vmem>>
        %dma_wait3A_250 = tpu.memref_squeeze %dma_wait3A_249 : memref<1x64xi32, #tpu.memory_space<vmem>> -> memref<64xi32, #tpu.memory_space<vmem>>
        %dma_wait3A_251 = arith.constant 0 : i32
        %dma_wait3A_252 = arith.constant 0 : i32
        %dma_wait3A_253 = tpu.memref_slice %arg10[%dma_wait3A_251, %dma_wait3A_252] : memref<10016x128xf32, #tpu.memory_space<vmem_shared>> -> memref<10016x128xf32, #tpu.memory_space<vmem_shared>>
        tpu.wait_indirect_dma semaphore(%run_scoped3A : memref<!tpu.dma_semaphore, #tpu.memory_space<semaphore_mem>>) src(%arg14 : memref<64x128xf32, #tpu.memory_space<vmem>>) dst(%dma_wait3A_253 : memref<10016x128xf32, #tpu.memory_space<vmem_shared>>)
        tpu.yield
      }) : () -> ()
      %dma_wait3A_196 = arith.constant 0 : i32
      %dma_wait3A_197 = arith.constant 0 : i32
      %dma_wait3A_198 = tpu.memref_slice %arg11[%dma_wait3A_196, %dma_wait3A_197] : memref<10016x16xf32, #tpu.memory_space<vmem_shared>> -> memref<10016x16xf32, #tpu.memory_space<vmem_shared>>
      tpu.wait_indirect_dma semaphore(%arg21 : memref<!tpu.dma_semaphore, #tpu.memory_space<semaphore_mem>>) src(%arg16 : memref<64x16xf32, #tpu.memory_space<vmem>>) dst(%dma_wait3A_198 : memref<10016x16xf32, #tpu.memory_space<vmem_shared>>)
      %add3A_199 = arith.addi %sub3A_9, %mul3A_187 : i32
      %dma_start3A_200 = arith.constant 0 : i32
      %dma_start3A_201 = tpu.memref_slice %arg13[%add3A_199, %dma_start3A_200] : memref<157x64xi32, #tpu.memory_space<vmem>> -> memref<1x64xi32, #tpu.memory_space<vmem>>
      %dma_start3A_202 = tpu.memref_squeeze %dma_start3A_201 : memref<1x64xi32, #tpu.memory_space<vmem>> -> memref<64xi32, #tpu.memory_space<vmem>>
      %dma_start3A_203 = arith.constant 0 : i32
      %dma_start3A_204 = arith.constant 0 : i32
      %dma_start3A_205 = tpu.memref_slice %arg11[%dma_start3A_203, %dma_start3A_204] : memref<10016x16xf32, #tpu.memory_space<vmem_shared>> -> memref<10016x16xf32, #tpu.memory_space<vmem_shared>>
      tpu.enqueue_indirect_dma source(%arg16 : memref<64x16xf32, #tpu.memory_space<vmem>>) target(%dma_start3A_205 : memref<10016x16xf32, #tpu.memory_space<vmem_shared>>) offsets(%dma_start3A_202 : memref<64xi32, #tpu.memory_space<vmem>>) semaphore(%arg21 : memref<!tpu.dma_semaphore, #tpu.memory_space<semaphore_mem>>) {add = true}
      %add3A_206 = arith.constant 2 : i32
      %add3A_207 = arith.addi %mul3A_187, %add3A_206 : i32
      %lt3A_208 = arith.cmpi slt, %add3A_207, %min3A_6 : i32
      %convert_element_type3A_209 = arith.extui %lt3A_208 : i1 to i32
      %cond3A_210 = arith.constant 0 : i32
      %cond3A_211 = arith.cmpi ne, %convert_element_type3A_209, %cond3A_210 : i32
      scf.if %cond3A_211 {
        %add3A_242 = arith.constant 2 : i32
        %add3A_243 = arith.addi %mul3A_187, %add3A_242 : i32
        %add3A_244 = arith.addi %sub3A_9, %add3A_243 : i32
        %dma_start3A_245 = arith.constant 0 : i32
        %dma_start3A_246 = tpu.memref_slice %arg12[%add3A_244, %dma_start3A_245] : memref<157x64xi32, #tpu.memory_space<vmem>> -> memref<1x64xi32, #tpu.memory_space<vmem>>
        %dma_start3A_247 = tpu.memref_squeeze %dma_start3A_246 : memref<1x64xi32, #tpu.memory_space<vmem>> -> memref<64xi32, #tpu.memory_space<vmem>>
        %dma_start3A_248 = arith.constant 0 : i32
        %dma_start3A_249 = arith.constant 0 : i32
        %dma_start3A_250 = tpu.memref_slice %arg2[%dma_start3A_248, %dma_start3A_249] : memref<10000x128xf32, #tpu.memory_space<hbm>> -> memref<10000x128xf32, #tpu.memory_space<hbm>>
        tpu.enqueue_indirect_dma source(%dma_start3A_250 : memref<10000x128xf32, #tpu.memory_space<hbm>>) target(%arg14 : memref<64x128xf32, #tpu.memory_space<vmem>>) offsets(%dma_start3A_247 : memref<64xi32, #tpu.memory_space<vmem>>) semaphore(%arg18 : memref<!tpu.dma_semaphore, #tpu.memory_space<semaphore_mem>>)
      } else {
      }
      %add3A_212 = arith.constant 1 : i32
      %add3A_213 = arith.addi %mul3A_187, %add3A_212 : i32
      %add3A_214 = arith.addi %sub3A_9, %add3A_213 : i32
      %dma_wait3A_215 = arith.constant 0 : i32
      %dma_wait3A_216 = tpu.memref_slice %arg12[%add3A_214, %dma_wait3A_215] : memref<157x64xi32, #tpu.memory_space<vmem>> -> memref<1x64xi32, #tpu.memory_space<vmem>>
      %dma_wait3A_217 = tpu.memref_squeeze %dma_wait3A_216 : memref<1x64xi32, #tpu.memory_space<vmem>> -> memref<64xi32, #tpu.memory_space<vmem>>
      %dma_wait3A_218 = arith.constant 0 : i32
      %dma_wait3A_219 = arith.constant 0 : i32
      %dma_wait3A_220 = tpu.memref_slice %arg2[%dma_wait3A_218, %dma_wait3A_219] : memref<10000x128xf32, #tpu.memory_space<hbm>> -> memref<10000x128xf32, #tpu.memory_space<hbm>>
      tpu.wait_indirect_dma semaphore(%arg19 : memref<!tpu.dma_semaphore, #tpu.memory_space<semaphore_mem>>) src(%dma_wait3A_220 : memref<10000x128xf32, #tpu.memory_space<hbm>>) dst(%arg15 : memref<64x128xf32, #tpu.memory_space<vmem>>)
      %add3A_221 = arith.addi %sub3A_9, %mul3A_187 : i32
      %add3A_222 = arith.constant 1 : i32
      %add3A_223 = arith.addi %add3A_221, %add3A_222 : i32
      "tpu.region"() ({
        %run_scoped3A = tpu.sem_alloc : memref<!tpu.dma_semaphore, #tpu.memory_space<semaphore_mem>>
        %dma_start3A_242 = arith.constant 0 : i32
        %dma_start3A_243 = tpu.memref_slice %arg13[%add3A_223, %dma_start3A_242] : memref<157x64xi32, #tpu.memory_space<vmem>> -> memref<1x64xi32, #tpu.memory_space<vmem>>
        %dma_start3A_244 = tpu.memref_squeeze %dma_start3A_243 : memref<1x64xi32, #tpu.memory_space<vmem>> -> memref<64xi32, #tpu.memory_space<vmem>>
        %dma_start3A_245 = arith.constant 0 : i32
        %dma_start3A_246 = arith.constant 0 : i32
        %dma_start3A_247 = tpu.memref_slice %arg10[%dma_start3A_245, %dma_start3A_246] : memref<10016x128xf32, #tpu.memory_space<vmem_shared>> -> memref<10016x128xf32, #tpu.memory_space<vmem_shared>>
        tpu.enqueue_indirect_dma source(%arg15 : memref<64x128xf32, #tpu.memory_space<vmem>>) target(%dma_start3A_247 : memref<10016x128xf32, #tpu.memory_space<vmem_shared>>) offsets(%dma_start3A_244 : memref<64xi32, #tpu.memory_space<vmem>>) semaphore(%run_scoped3A : memref<!tpu.dma_semaphore, #tpu.memory_space<semaphore_mem>>) {add = true}
        %dma_wait3A_248 = arith.constant 0 : i32
        %dma_wait3A_249 = tpu.memref_slice %arg13[%add3A_223, %dma_wait3A_248] : memref<157x64xi32, #tpu.memory_space<vmem>> -> memref<1x64xi32, #tpu.memory_space<vmem>>
        %dma_wait3A_250 = tpu.memref_squeeze %dma_wait3A_249 : memref<1x64xi32, #tpu.memory_space<vmem>> -> memref<64xi32, #tpu.memory_space<vmem>>
        %dma_wait3A_251 = arith.constant 0 : i32
        %dma_wait3A_252 = arith.constant 0 : i32
        %dma_wait3A_253 = tpu.memref_slice %arg10[%dma_wait3A_251, %dma_wait3A_252] : memref<10016x128xf32, #tpu.memory_space<vmem_shared>> -> memref<10016x128xf32, #tpu.memory_space<vmem_shared>>
        tpu.wait_indirect_dma semaphore(%run_scoped3A : memref<!tpu.dma_semaphore, #tpu.memory_space<semaphore_mem>>) src(%arg15 : memref<64x128xf32, #tpu.memory_space<vmem>>) dst(%dma_wait3A_253 : memref<10016x128xf32, #tpu.memory_space<vmem_shared>>)
        tpu.yield
      }) : () -> ()
      %dma_wait3A_224 = arith.constant 0 : i32
      %dma_wait3A_225 = arith.constant 0 : i32
      %dma_wait3A_226 = tpu.memref_slice %arg11[%dma_wait3A_224, %dma_wait3A_225] : memref<10016x16xf32, #tpu.memory_space<vmem_shared>> -> memref<10016x16xf32, #tpu.memory_space<vmem_shared>>
      tpu.wait_indirect_dma semaphore(%arg21 : memref<!tpu.dma_semaphore, #tpu.memory_space<semaphore_mem>>) src(%arg16 : memref<64x16xf32, #tpu.memory_space<vmem>>) dst(%dma_wait3A_226 : memref<10016x16xf32, #tpu.memory_space<vmem_shared>>)
      %add3A_227 = arith.addi %sub3A_9, %mul3A_187 : i32
      %add3A_228 = arith.constant 1 : i32
      %add3A_229 = arith.addi %add3A_227, %add3A_228 : i32
      %dma_start3A_230 = arith.constant 0 : i32
      %dma_start3A_231 = tpu.memref_slice %arg13[%add3A_229, %dma_start3A_230] : memref<157x64xi32, #tpu.memory_space<vmem>> -> memref<1x64xi32, #tpu.memory_space<vmem>>
      %dma_start3A_232 = tpu.memref_squeeze %dma_start3A_231 : memref<1x64xi32, #tpu.memory_space<vmem>> -> memref<64xi32, #tpu.memory_space<vmem>>
      %dma_start3A_233 = arith.constant 0 : i32
      %dma_start3A_234 = arith.constant 0 : i32
      %dma_start3A_235 = tpu.memref_slice %arg11[%dma_start3A_233, %dma_start3A_234] : memref<10016x16xf32, #tpu.memory_space<vmem_shared>> -> memref<10016x16xf32, #tpu.memory_space<vmem_shared>>
      tpu.enqueue_indirect_dma source(%arg16 : memref<64x16xf32, #tpu.memory_space<vmem>>) target(%dma_start3A_235 : memref<10016x16xf32, #tpu.memory_space<vmem_shared>>) offsets(%dma_start3A_232 : memref<64xi32, #tpu.memory_space<vmem>>) semaphore(%arg21 : memref<!tpu.dma_semaphore, #tpu.memory_space<semaphore_mem>>) {add = true}
      %add3A_236 = arith.constant 3 : i32
      %add3A_237 = arith.addi %mul3A_187, %add3A_236 : i32
      %lt3A_238 = arith.cmpi slt, %add3A_237, %min3A_6 : i32
      %convert_element_type3A_239 = arith.extui %lt3A_238 : i1 to i32
      %cond3A_240 = arith.constant 0 : i32
      %cond3A_241 = arith.cmpi ne, %convert_element_type3A_239, %cond3A_240 : i32
      scf.if %cond3A_241 {
        %add3A_242 = arith.constant 3 : i32
        %add3A_243 = arith.addi %mul3A_187, %add3A_242 : i32
        %add3A_244 = arith.addi %sub3A_9, %add3A_243 : i32
        %dma_start3A_245 = arith.constant 0 : i32
        %dma_start3A_246 = tpu.memref_slice %arg12[%add3A_244, %dma_start3A_245] : memref<157x64xi32, #tpu.memory_space<vmem>> -> memref<1x64xi32, #tpu.memory_space<vmem>>
        %dma_start3A_247 = tpu.memref_squeeze %dma_start3A_246 : memref<1x64xi32, #tpu.memory_space<vmem>> -> memref<64xi32, #tpu.memory_space<vmem>>
        %dma_start3A_248 = arith.constant 0 : i32
        %dma_start3A_249 = arith.constant 0 : i32
        %dma_start3A_250 = tpu.memref_slice %arg2[%dma_start3A_248, %dma_start3A_249] : memref<10000x128xf32, #tpu.memory_space<hbm>> -> memref<10000x128xf32, #tpu.memory_space<hbm>>
        tpu.enqueue_indirect_dma source(%dma_start3A_250 : memref<10000x128xf32, #tpu.memory_space<hbm>>) target(%arg15 : memref<64x128xf32, #tpu.memory_space<vmem>>) offsets(%dma_start3A_247 : memref<64xi32, #tpu.memory_space<vmem>>) semaphore(%arg19 : memref<!tpu.dma_semaphore, #tpu.memory_space<semaphore_mem>>)
      } else {
      }
    }
    %while3A_153 = arith.constant 1 : i32
    scf.for %while3A_185 = %while3A_151 to %while3A_147 step %while3A_153  : i32 {
      %mul3A_186 = arith.constant 2 : i32
      %mul3A_187 = arith.muli %mul3A_186, %while3A_185 : i32
      %add3A_188 = arith.addi %sub3A_9, %mul3A_187 : i32
      %dma_wait3A_189 = arith.constant 0 : i32
      %dma_wait3A_190 = tpu.memref_slice %arg12[%add3A_188, %dma_wait3A_189] : memref<157x64xi32, #tpu.memory_space<vmem>> -> memref<1x64xi32, #tpu.memory_space<vmem>>
      %dma_wait3A_191 = tpu.memref_squeeze %dma_wait3A_190 : memref<1x64xi32, #tpu.memory_space<vmem>> -> memref<64xi32, #tpu.memory_space<vmem>>
      %dma_wait3A_192 = arith.constant 0 : i32
      %dma_wait3A_193 = arith.constant 0 : i32
      %dma_wait3A_194 = tpu.memref_slice %arg2[%dma_wait3A_192, %dma_wait3A_193] : memref<10000x128xf32, #tpu.memory_space<hbm>> -> memref<10000x128xf32, #tpu.memory_space<hbm>>
      tpu.wait_indirect_dma semaphore(%arg18 : memref<!tpu.dma_semaphore, #tpu.memory_space<semaphore_mem>>) src(%dma_wait3A_194 : memref<10000x128xf32, #tpu.memory_space<hbm>>) dst(%arg14 : memref<64x128xf32, #tpu.memory_space<vmem>>)
      %add3A_195 = arith.addi %sub3A_9, %mul3A_187 : i32
      "tpu.region"() ({
        %run_scoped3A = tpu.sem_alloc : memref<!tpu.dma_semaphore, #tpu.memory_space<semaphore_mem>>
        %dma_start3A_242 = arith.constant 0 : i32
        %dma_start3A_243 = tpu.memref_slice %arg13[%add3A_195, %dma_start3A_242] : memref<157x64xi32, #tpu.memory_space<vmem>> -> memref<1x64xi32, #tpu.memory_space<vmem>>
        %dma_start3A_244 = tpu.memref_squeeze %dma_start3A_243 : memref<1x64xi32, #tpu.memory_space<vmem>> -> memref<64xi32, #tpu.memory_space<vmem>>
        %dma_start3A_245 = arith.constant 0 : i32
        %dma_start3A_246 = arith.constant 0 : i32
        %dma_start3A_247 = tpu.memref_slice %arg10[%dma_start3A_245, %dma_start3A_246] : memref<10016x128xf32, #tpu.memory_space<vmem_shared>> -> memref<10016x128xf32, #tpu.memory_space<vmem_shared>>
        tpu.enqueue_indirect_dma source(%arg14 : memref<64x128xf32, #tpu.memory_space<vmem>>) target(%dma_start3A_247 : memref<10016x128xf32, #tpu.memory_space<vmem_shared>>) offsets(%dma_start3A_244 : memref<64xi32, #tpu.memory_space<vmem>>) semaphore(%run_scoped3A : memref<!tpu.dma_semaphore, #tpu.memory_space<semaphore_mem>>) {add = true}
        %dma_wait3A_248 = arith.constant 0 : i32
        %dma_wait3A_249 = tpu.memref_slice %arg13[%add3A_195, %dma_wait3A_248] : memref<157x64xi32, #tpu.memory_space<vmem>> -> memref<1x64xi32, #tpu.memory_space<vmem>>
        %dma_wait3A_250 = tpu.memref_squeeze %dma_wait3A_249 : memref<1x64xi32, #tpu.memory_space<vmem>> -> memref<64xi32, #tpu.memory_space<vmem>>
        %dma_wait3A_251 = arith.constant 0 : i32
        %dma_wait3A_252 = arith.constant 0 : i32
        %dma_wait3A_253 = tpu.memref_slice %arg10[%dma_wait3A_251, %dma_wait3A_252] : memref<10016x128xf32, #tpu.memory_space<vmem_shared>> -> memref<10016x128xf32, #tpu.memory_space<vmem_shared>>
        tpu.wait_indirect_dma semaphore(%run_scoped3A : memref<!tpu.dma_semaphore, #tpu.memory_space<semaphore_mem>>) src(%arg14 : memref<64x128xf32, #tpu.memory_space<vmem>>) dst(%dma_wait3A_253 : memref<10016x128xf32, #tpu.memory_space<vmem_shared>>)
        tpu.yield
      }) : () -> ()
      %dma_wait3A_196 = arith.constant 0 : i32
      %dma_wait3A_197 = arith.constant 0 : i32
      %dma_wait3A_198 = tpu.memref_slice %arg11[%dma_wait3A_196, %dma_wait3A_197] : memref<10016x16xf32, #tpu.memory_space<vmem_shared>> -> memref<10016x16xf32, #tpu.memory_space<vmem_shared>>
      tpu.wait_indirect_dma semaphore(%arg21 : memref<!tpu.dma_semaphore, #tpu.memory_space<semaphore_mem>>) src(%arg16 : memref<64x16xf32, #tpu.memory_space<vmem>>) dst(%dma_wait3A_198 : memref<10016x16xf32, #tpu.memory_space<vmem_shared>>)
      %add3A_199 = arith.addi %sub3A_9, %mul3A_187 : i32
      %dma_start3A_200 = arith.constant 0 : i32
      %dma_start3A_201 = tpu.memref_slice %arg13[%add3A_199, %dma_start3A_200] : memref<157x64xi32, #tpu.memory_space<vmem>> -> memref<1x64xi32, #tpu.memory_space<vmem>>
      %dma_start3A_202 = tpu.memref_squeeze %dma_start3A_201 : memref<1x64xi32, #tpu.memory_space<vmem>> -> memref<64xi32, #tpu.memory_space<vmem>>
      %dma_start3A_203 = arith.constant 0 : i32
      %dma_start3A_204 = arith.constant 0 : i32
      %dma_start3A_205 = tpu.memref_slice %arg11[%dma_start3A_203, %dma_start3A_204] : memref<10016x16xf32, #tpu.memory_space<vmem_shared>> -> memref<10016x16xf32, #tpu.memory_space<vmem_shared>>
      tpu.enqueue_indirect_dma source(%arg16 : memref<64x16xf32, #tpu.memory_space<vmem>>) target(%dma_start3A_205 : memref<10016x16xf32, #tpu.memory_space<vmem_shared>>) offsets(%dma_start3A_202 : memref<64xi32, #tpu.memory_space<vmem>>) semaphore(%arg21 : memref<!tpu.dma_semaphore, #tpu.memory_space<semaphore_mem>>) {add = true}
      %add3A_206 = arith.constant 2 : i32
      %add3A_207 = arith.addi %mul3A_187, %add3A_206 : i32
      %lt3A_208 = arith.cmpi slt, %add3A_207, %min3A_6 : i32
      %convert_element_type3A_209 = arith.extui %lt3A_208 : i1 to i32
      %cond3A_210 = arith.constant 0 : i32
      %cond3A_211 = arith.cmpi ne, %convert_element_type3A_209, %cond3A_210 : i32
      scf.if %cond3A_211 {
        %add3A_242 = arith.constant 2 : i32
        %add3A_243 = arith.addi %mul3A_187, %add3A_242 : i32
        %add3A_244 = arith.addi %sub3A_9, %add3A_243 : i32
        %dma_start3A_245 = arith.constant 0 : i32
        %dma_start3A_246 = tpu.memref_slice %arg12[%add3A_244, %dma_start3A_245] : memref<157x64xi32, #tpu.memory_space<vmem>> -> memref<1x64xi32, #tpu.memory_space<vmem>>
        %dma_start3A_247 = tpu.memref_squeeze %dma_start3A_246 : memref<1x64xi32, #tpu.memory_space<vmem>> -> memref<64xi32, #tpu.memory_space<vmem>>
        %dma_start3A_248 = arith.constant 0 : i32
        %dma_start3A_249 = arith.constant 0 : i32
        %dma_start3A_250 = tpu.memref_slice %arg2[%dma_start3A_248, %dma_start3A_249] : memref<10000x128xf32, #tpu.memory_space<hbm>> -> memref<10000x128xf32, #tpu.memory_space<hbm>>
        tpu.enqueue_indirect_dma source(%dma_start3A_250 : memref<10000x128xf32, #tpu.memory_space<hbm>>) target(%arg14 : memref<64x128xf32, #tpu.memory_space<vmem>>) offsets(%dma_start3A_247 : memref<64xi32, #tpu.memory_space<vmem>>) semaphore(%arg18 : memref<!tpu.dma_semaphore, #tpu.memory_space<semaphore_mem>>)
      } else {
      }
      %add3A_212 = arith.constant 1 : i32
      %add3A_213 = arith.addi %mul3A_187, %add3A_212 : i32
      %add3A_214 = arith.addi %sub3A_9, %add3A_213 : i32
      %dma_wait3A_215 = arith.constant 0 : i32
      %dma_wait3A_216 = tpu.memref_slice %arg12[%add3A_214, %dma_wait3A_215] : memref<157x64xi32, #tpu.memory_space<vmem>> -> memref<1x64xi32, #tpu.memory_space<vmem>>
      %dma_wait3A_217 = tpu.memref_squeeze %dma_wait3A_216 : memref<1x64xi32, #tpu.memory_space<vmem>> -> memref<64xi32, #tpu.memory_space<vmem>>
      %dma_wait3A_218 = arith.constant 0 : i32
      %dma_wait3A_219 = arith.constant 0 : i32
      %dma_wait3A_220 = tpu.memref_slice %arg2[%dma_wait3A_218, %dma_wait3A_219] : memref<10000x128xf32, #tpu.memory_space<hbm>> -> memref<10000x128xf32, #tpu.memory_space<hbm>>
      tpu.wait_indirect_dma semaphore(%arg19 : memref<!tpu.dma_semaphore, #tpu.memory_space<semaphore_mem>>) src(%dma_wait3A_220 : memref<10000x128xf32, #tpu.memory_space<hbm>>) dst(%arg15 : memref<64x128xf32, #tpu.memory_space<vmem>>)
      %add3A_221 = arith.addi %sub3A_9, %mul3A_187 : i32
      %add3A_222 = arith.constant 1 : i32
      %add3A_223 = arith.addi %add3A_221, %add3A_222 : i32
      "tpu.region"() ({
        %run_scoped3A = tpu.sem_alloc : memref<!tpu.dma_semaphore, #tpu.memory_space<semaphore_mem>>
        %dma_start3A_242 = arith.constant 0 : i32
        %dma_start3A_243 = tpu.memref_slice %arg13[%add3A_223, %dma_start3A_242] : memref<157x64xi32, #tpu.memory_space<vmem>> -> memref<1x64xi32, #tpu.memory_space<vmem>>
        %dma_start3A_244 = tpu.memref_squeeze %dma_start3A_243 : memref<1x64xi32, #tpu.memory_space<vmem>> -> memref<64xi32, #tpu.memory_space<vmem>>
        %dma_start3A_245 = arith.constant 0 : i32
        %dma_start3A_246 = arith.constant 0 : i32
        %dma_start3A_247 = tpu.memref_slice %arg10[%dma_start3A_245, %dma_start3A_246] : memref<10016x128xf32, #tpu.memory_space<vmem_shared>> -> memref<10016x128xf32, #tpu.memory_space<vmem_shared>>
        tpu.enqueue_indirect_dma source(%arg15 : memref<64x128xf32, #tpu.memory_space<vmem>>) target(%dma_start3A_247 : memref<10016x128xf32, #tpu.memory_space<vmem_shared>>) offsets(%dma_start3A_244 : memref<64xi32, #tpu.memory_space<vmem>>) semaphore(%run_scoped3A : memref<!tpu.dma_semaphore, #tpu.memory_space<semaphore_mem>>) {add = true}
        %dma_wait3A_248 = arith.constant 0 : i32
        %dma_wait3A_249 = tpu.memref_slice %arg13[%add3A_223, %dma_wait3A_248] : memref<157x64xi32, #tpu.memory_space<vmem>> -> memref<1x64xi32, #tpu.memory_space<vmem>>
        %dma_wait3A_250 = tpu.memref_squeeze %dma_wait3A_249 : memref<1x64xi32, #tpu.memory_space<vmem>> -> memref<64xi32, #tpu.memory_space<vmem>>
        %dma_wait3A_251 = arith.constant 0 : i32
        %dma_wait3A_252 = arith.constant 0 : i32
        %dma_wait3A_253 = tpu.memref_slice %arg10[%dma_wait3A_251, %dma_wait3A_252] : memref<10016x128xf32, #tpu.memory_space<vmem_shared>> -> memref<10016x128xf32, #tpu.memory_space<vmem_shared>>
        tpu.wait_indirect_dma semaphore(%run_scoped3A : memref<!tpu.dma_semaphore, #tpu.memory_space<semaphore_mem>>) src(%arg15 : memref<64x128xf32, #tpu.memory_space<vmem>>) dst(%dma_wait3A_253 : memref<10016x128xf32, #tpu.memory_space<vmem_shared>>)
        tpu.yield
      }) : () -> ()
      %dma_wait3A_224 = arith.constant 0 : i32
      %dma_wait3A_225 = arith.constant 0 : i32
      %dma_wait3A_226 = tpu.memref_slice %arg11[%dma_wait3A_224, %dma_wait3A_225] : memref<10016x16xf32, #tpu.memory_space<vmem_shared>> -> memref<10016x16xf32, #tpu.memory_space<vmem_shared>>
      tpu.wait_indirect_dma semaphore(%arg21 : memref<!tpu.dma_semaphore, #tpu.memory_space<semaphore_mem>>) src(%arg16 : memref<64x16xf32, #tpu.memory_space<vmem>>) dst(%dma_wait3A_226 : memref<10016x16xf32, #tpu.memory_space<vmem_shared>>)
      %add3A_227 = arith.addi %sub3A_9, %mul3A_187 : i32
      %add3A_228 = arith.constant 1 : i32
      %add3A_229 = arith.addi %add3A_227, %add3A_228 : i32
      %dma_start3A_230 = arith.constant 0 : i32
      %dma_start3A_231 = tpu.memref_slice %arg13[%add3A_229, %dma_start3A_230] : memref<157x64xi32, #tpu.memory_space<vmem>> -> memref<1x64xi32, #tpu.memory_space<vmem>>
      %dma_start3A_232 = tpu.memref_squeeze %dma_start3A_231 : memref<1x64xi32, #tpu.memory_space<vmem>> -> memref<64xi32, #tpu.memory_space<vmem>>
      %dma_start3A_233 = arith.constant 0 : i32
      %dma_start3A_234 = arith.constant 0 : i32
      %dma_start3A_235 = tpu.memref_slice %arg11[%dma_start3A_233, %dma_start3A_234] : memref<10016x16xf32, #tpu.memory_space<vmem_shared>> -> memref<10016x16xf32, #tpu.memory_space<vmem_shared>>
      tpu.enqueue_indirect_dma source(%arg16 : memref<64x16xf32, #tpu.memory_space<vmem>>) target(%dma_start3A_235 : memref<10016x16xf32, #tpu.memory_space<vmem_shared>>) offsets(%dma_start3A_232 : memref<64xi32, #tpu.memory_space<vmem>>) semaphore(%arg21 : memref<!tpu.dma_semaphore, #tpu.memory_space<semaphore_mem>>) {add = true}
      %add3A_236 = arith.constant 3 : i32
      %add3A_237 = arith.addi %mul3A_187, %add3A_236 : i32
      %lt3A_238 = arith.cmpi slt, %add3A_237, %min3A_6 : i32
      %convert_element_type3A_239 = arith.extui %lt3A_238 : i1 to i32
      %cond3A_240 = arith.constant 0 : i32
      %cond3A_241 = arith.cmpi ne, %convert_element_type3A_239, %cond3A_240 : i32
      scf.if %cond3A_241 {
        %add3A_242 = arith.constant 3 : i32
        %add3A_243 = arith.addi %mul3A_187, %add3A_242 : i32
        %add3A_244 = arith.addi %sub3A_9, %add3A_243 : i32
        %dma_start3A_245 = arith.constant 0 : i32
        %dma_start3A_246 = tpu.memref_slice %arg12[%add3A_244, %dma_start3A_245] : memref<157x64xi32, #tpu.memory_space<vmem>> -> memref<1x64xi32, #tpu.memory_space<vmem>>
        %dma_start3A_247 = tpu.memref_squeeze %dma_start3A_246 : memref<1x64xi32, #tpu.memory_space<vmem>> -> memref<64xi32, #tpu.memory_space<vmem>>
        %dma_start3A_248 = arith.constant 0 : i32
        %dma_start3A_249 = arith.constant 0 : i32
        %dma_start3A_250 = tpu.memref_slice %arg2[%dma_start3A_248, %dma_start3A_249] : memref<10000x128xf32, #tpu.memory_space<hbm>> -> memref<10000x128xf32, #tpu.memory_space<hbm>>
        tpu.enqueue_indirect_dma source(%dma_start3A_250 : memref<10000x128xf32, #tpu.memory_space<hbm>>) target(%arg15 : memref<64x128xf32, #tpu.memory_space<vmem>>) offsets(%dma_start3A_247 : memref<64xi32, #tpu.memory_space<vmem>>) semaphore(%arg19 : memref<!tpu.dma_semaphore, #tpu.memory_space<semaphore_mem>>)
      } else {
      }
    }
    %jit3A_154 = arith.constant 2 : i32
    %eq3A = arith.constant 0 : i32
    %eq3A_155 = arith.cmpi eq, %jit3A_154, %eq3A : i32
    %jit3A_156 = arith.constant 1 : i32
    %select_n3A_157 = arith.select %eq3A_155, %jit3A_156, %jit3A_154 : i32
    %rem3A_158 = arith.remsi %min3A_6, %select_n3A_157 : i32
    %ne3A_159 = arith.constant 0 : i32
    %ne3A_160 = arith.cmpi ne, %rem3A_158, %ne3A_159 : i32
    %lt3A = arith.constant 0 : i32
    %lt3A_161 = arith.cmpi slt, %rem3A_158, %lt3A : i32
    %lt3A_162 = arith.constant 0 : i32
    %lt3A_163 = arith.cmpi slt, %select_n3A_157, %lt3A_162 : i32
    %ne3A_164 = arith.xori %lt3A_161, %lt3A_163 : i1
    %and3A_165 = arith.andi %ne3A_164, %ne3A_160 : i1
    %add3A_166 = arith.addi %rem3A_158, %select_n3A_157 : i32
    %select_n3A_167 = arith.select %and3A_165, %add3A_166, %rem3A_158 : i32
    %eq3A_168 = arith.constant 1 : i32
    %eq3A_169 = arith.cmpi eq, %select_n3A_167, %eq3A_168 : i32
    %convert_element_type3A = arith.extui %eq3A_169 : i1 to i32
    %cond3A = arith.constant 0 : i32
    %cond3A_170 = arith.cmpi ne, %convert_element_type3A, %cond3A : i32
    scf.if %cond3A_170 {
      %sub3A_185 = arith.constant 1 : i32
      %sub3A_186 = arith.subi %min3A_6, %sub3A_185 : i32
      %add3A_187 = arith.addi %sub3A_9, %sub3A_186 : i32
      %dma_wait3A_188 = arith.constant 0 : i32
      %dma_wait3A_189 = tpu.memref_slice %arg12[%add3A_187, %dma_wait3A_188] : memref<157x64xi32, #tpu.memory_space<vmem>> -> memref<1x64xi32, #tpu.memory_space<vmem>>
      %dma_wait3A_190 = tpu.memref_squeeze %dma_wait3A_189 : memref<1x64xi32, #tpu.memory_space<vmem>> -> memref<64xi32, #tpu.memory_space<vmem>>
      %dma_wait3A_191 = arith.constant 0 : i32
      %dma_wait3A_192 = arith.constant 0 : i32
      %dma_wait3A_193 = tpu.memref_slice %arg2[%dma_wait3A_191, %dma_wait3A_192] : memref<10000x128xf32, #tpu.memory_space<hbm>> -> memref<10000x128xf32, #tpu.memory_space<hbm>>
      tpu.wait_indirect_dma semaphore(%arg18 : memref<!tpu.dma_semaphore, #tpu.memory_space<semaphore_mem>>) src(%dma_wait3A_193 : memref<10000x128xf32, #tpu.memory_space<hbm>>) dst(%arg14 : memref<64x128xf32, #tpu.memory_space<vmem>>)
      %add3A_194 = arith.addi %sub3A_9, %sub3A_186 : i32
      "tpu.region"() ({
        %run_scoped3A = tpu.sem_alloc : memref<!tpu.dma_semaphore, #tpu.memory_space<semaphore_mem>>
        %dma_start3A_205 = arith.constant 0 : i32
        %dma_start3A_206 = tpu.memref_slice %arg13[%add3A_194, %dma_start3A_205] : memref<157x64xi32, #tpu.memory_space<vmem>> -> memref<1x64xi32, #tpu.memory_space<vmem>>
        %dma_start3A_207 = tpu.memref_squeeze %dma_start3A_206 : memref<1x64xi32, #tpu.memory_space<vmem>> -> memref<64xi32, #tpu.memory_space<vmem>>
        %dma_start3A_208 = arith.constant 0 : i32
        %dma_start3A_209 = arith.constant 0 : i32
        %dma_start3A_210 = tpu.memref_slice %arg10[%dma_start3A_208, %dma_start3A_209] : memref<10016x128xf32, #tpu.memory_space<vmem_shared>> -> memref<10016x128xf32, #tpu.memory_space<vmem_shared>>
        tpu.enqueue_indirect_dma source(%arg14 : memref<64x128xf32, #tpu.memory_space<vmem>>) target(%dma_start3A_210 : memref<10016x128xf32, #tpu.memory_space<vmem_shared>>) offsets(%dma_start3A_207 : memref<64xi32, #tpu.memory_space<vmem>>) semaphore(%run_scoped3A : memref<!tpu.dma_semaphore, #tpu.memory_space<semaphore_mem>>) {add = true}
        %dma_wait3A_211 = arith.constant 0 : i32
        %dma_wait3A_212 = tpu.memref_slice %arg13[%add3A_194, %dma_wait3A_211] : memref<157x64xi32, #tpu.memory_space<vmem>> -> memref<1x64xi32, #tpu.memory_space<vmem>>
        %dma_wait3A_213 = tpu.memref_squeeze %dma_wait3A_212 : memref<1x64xi32, #tpu.memory_space<vmem>> -> memref<64xi32, #tpu.memory_space<vmem>>
        %dma_wait3A_214 = arith.constant 0 : i32
        %dma_wait3A_215 = arith.constant 0 : i32
        %dma_wait3A_216 = tpu.memref_slice %arg10[%dma_wait3A_214, %dma_wait3A_215] : memref<10016x128xf32, #tpu.memory_space<vmem_shared>> -> memref<10016x128xf32, #tpu.memory_space<vmem_shared>>
        tpu.wait_indirect_dma semaphore(%run_scoped3A : memref<!tpu.dma_semaphore, #tpu.memory_space<semaphore_mem>>) src(%arg14 : memref<64x128xf32, #tpu.memory_space<vmem>>) dst(%dma_wait3A_216 : memref<10016x128xf32, #tpu.memory_space<vmem_shared>>)
        tpu.yield
      }) : () -> ()
      %dma_wait3A_195 = arith.constant 0 : i32
      %dma_wait3A_196 = arith.constant 0 : i32
      %dma_wait3A_197 = tpu.memref_slice %arg11[%dma_wait3A_195, %dma_wait3A_196] : memref<10016x16xf32, #tpu.memory_space<vmem_shared>> -> memref<10016x16xf32, #tpu.memory_space<vmem_shared>>
      tpu.wait_indirect_dma semaphore(%arg21 : memref<!tpu.dma_semaphore, #tpu.memory_space<semaphore_mem>>) src(%arg16 : memref<64x16xf32, #tpu.memory_space<vmem>>) dst(%dma_wait3A_197 : memref<10016x16xf32, #tpu.memory_space<vmem_shared>>)
      %add3A_198 = arith.addi %sub3A_9, %sub3A_186 : i32
      %dma_start3A_199 = arith.constant 0 : i32
      %dma_start3A_200 = tpu.memref_slice %arg13[%add3A_198, %dma_start3A_199] : memref<157x64xi32, #tpu.memory_space<vmem>> -> memref<1x64xi32, #tpu.memory_space<vmem>>
      %dma_start3A_201 = tpu.memref_squeeze %dma_start3A_200 : memref<1x64xi32, #tpu.memory_space<vmem>> -> memref<64xi32, #tpu.memory_space<vmem>>
      %dma_start3A_202 = arith.constant 0 : i32
      %dma_start3A_203 = arith.constant 0 : i32
      %dma_start3A_204 = tpu.memref_slice %arg11[%dma_start3A_202, %dma_start3A_203] : memref<10016x16xf32, #tpu.memory_space<vmem_shared>> -> memref<10016x16xf32, #tpu.memory_space<vmem_shared>>
      tpu.enqueue_indirect_dma source(%arg16 : memref<64x16xf32, #tpu.memory_space<vmem>>) target(%dma_start3A_204 : memref<10016x16xf32, #tpu.memory_space<vmem_shared>>) offsets(%dma_start3A_201 : memref<64xi32, #tpu.memory_space<vmem>>) semaphore(%arg21 : memref<!tpu.dma_semaphore, #tpu.memory_space<semaphore_mem>>) {add = true}
    } else {
    }
    %dma_wait3A_171 = arith.constant 0 : i32
    %dma_wait3A_172 = arith.constant 0 : i32
    %dma_wait3A_173 = tpu.memref_slice %arg11[%dma_wait3A_171, %dma_wait3A_172] : memref<10016x16xf32, #tpu.memory_space<vmem_shared>> -> memref<10016x16xf32, #tpu.memory_space<vmem_shared>>
    tpu.wait_indirect_dma semaphore(%arg21 : memref<!tpu.dma_semaphore, #tpu.memory_space<semaphore_mem>>) src(%arg16 : memref<64x16xf32, #tpu.memory_space<vmem>>) dst(%dma_wait3A_173 : memref<10016x16xf32, #tpu.memory_space<vmem_shared>>)
    %barrier3A_174 = arith.constant 0 : index
    tpu.barrier barrier_id(%barrier3A_174)
    %eq3A_175 = arith.constant 0 : i32
    %eq3A_176 = arith.cmpi eq, %arg0, %eq3A_175 : i32
    %convert_element_type3A_177 = arith.extui %eq3A_176 : i1 to i32
    %cond3A_178 = arith.constant 0 : i32
    %cond3A_179 = arith.cmpi ne, %convert_element_type3A_177, %cond3A_178 : i32
    scf.if %cond3A_179 {
      %dma_start3A_185 = arith.constant 0 : i32
      %dma_start3A_186 = tpu.memref_slice %arg6[%mul3A_2, %dma_start3A_185] : memref<10016x128xf32, #tpu.memory_space<hbm>> -> memref<626x128xf32, #tpu.memory_space<hbm>>
      %dma_start3A_187 = arith.constant 0 : i32
      %dma_start3A_188 = tpu.memref_slice %arg10[%mul3A_2, %dma_start3A_187] : memref<10016x128xf32, #tpu.memory_space<vmem_shared>> -> memref<626x128xf32, #tpu.memory_space<vmem_shared>>
      tpu.enqueue_dma source(%dma_start3A_188 : memref<626x128xf32, #tpu.memory_space<vmem_shared>>) target(%dma_start3A_186 : memref<626x128xf32, #tpu.memory_space<hbm>>) target_semaphore(%arg20 : memref<!tpu.dma_semaphore, #tpu.memory_space<semaphore_mem>>)
      %dma_start3A_189 = arith.constant 0 : i32
      %dma_start3A_190 = tpu.memref_slice %arg8[%mul3A_2, %dma_start3A_189] : memref<10016x16xf32, #tpu.memory_space<hbm>> -> memref<626x16xf32, #tpu.memory_space<hbm>>
      %dma_start3A_191 = arith.constant 0 : i32
      %dma_start3A_192 = tpu.memref_slice %arg11[%mul3A_2, %dma_start3A_191] : memref<10016x16xf32, #tpu.memory_space<vmem_shared>> -> memref<626x16xf32, #tpu.memory_space<vmem_shared>>
      tpu.enqueue_dma source(%dma_start3A_192 : memref<626x16xf32, #tpu.memory_space<vmem_shared>>) target(%dma_start3A_190 : memref<626x16xf32, #tpu.memory_space<hbm>>) target_semaphore(%arg21 : memref<!tpu.dma_semaphore, #tpu.memory_space<semaphore_mem>>)
      %dma_wait3A_193 = arith.constant 0 : i32
      %dma_wait3A_194 = tpu.memref_slice %arg6[%mul3A_2, %dma_wait3A_193] : memref<10016x128xf32, #tpu.memory_space<hbm>> -> memref<626x128xf32, #tpu.memory_space<hbm>>
      %dma_wait3A_195 = arith.constant 0 : i32
      %dma_wait3A_196 = tpu.memref_slice %arg10[%mul3A_2, %dma_wait3A_195] : memref<10016x128xf32, #tpu.memory_space<vmem_shared>> -> memref<626x128xf32, #tpu.memory_space<vmem_shared>>
      tpu.wait_dma2 semaphore(%arg20 : memref<!tpu.dma_semaphore, #tpu.memory_space<semaphore_mem>>) src(%dma_wait3A_196 : memref<626x128xf32, #tpu.memory_space<vmem_shared>>) dst(%dma_wait3A_194 : memref<626x128xf32, #tpu.memory_space<hbm>>)
      %dma_wait3A_197 = arith.constant 0 : i32
      %dma_wait3A_198 = tpu.memref_slice %arg8[%mul3A_2, %dma_wait3A_197] : memref<10016x16xf32, #tpu.memory_space<hbm>> -> memref<626x16xf32, #tpu.memory_space<hbm>>
      %dma_wait3A_199 = arith.constant 0 : i32
      %dma_wait3A_200 = tpu.memref_slice %arg11[%mul3A_2, %dma_wait3A_199] : memref<10016x16xf32, #tpu.memory_space<vmem_shared>> -> memref<626x16xf32, #tpu.memory_space<vmem_shared>>
      tpu.wait_dma2 semaphore(%arg21 : memref<!tpu.dma_semaphore, #tpu.memory_space<semaphore_mem>>) src(%dma_wait3A_200 : memref<626x16xf32, #tpu.memory_space<vmem_shared>>) dst(%dma_wait3A_198 : memref<626x16xf32, #tpu.memory_space<hbm>>)
    } else {
    }
    %eq3A_180 = arith.constant 1 : i32
    %eq3A_181 = arith.cmpi eq, %arg0, %eq3A_180 : i32
    %convert_element_type3A_182 = arith.extui %eq3A_181 : i1 to i32
    %cond3A_183 = arith.constant 0 : i32
    %cond3A_184 = arith.cmpi ne, %convert_element_type3A_182, %cond3A_183 : i32
    scf.if %cond3A_184 {
      %dma_start3A_185 = arith.constant 0 : i32
      %dma_start3A_186 = tpu.memref_slice %arg7[%mul3A_2, %dma_start3A_185] : memref<10016x128xf32, #tpu.memory_space<hbm>> -> memref<626x128xf32, #tpu.memory_space<hbm>>
      %dma_start3A_187 = arith.constant 0 : i32
      %dma_start3A_188 = tpu.memref_slice %arg10[%mul3A_2, %dma_start3A_187] : memref<10016x128xf32, #tpu.memory_space<vmem_shared>> -> memref<626x128xf32, #tpu.memory_space<vmem_shared>>
      tpu.enqueue_dma source(%dma_start3A_188 : memref<626x128xf32, #tpu.memory_space<vmem_shared>>) target(%dma_start3A_186 : memref<626x128xf32, #tpu.memory_space<hbm>>) target_semaphore(%arg20 : memref<!tpu.dma_semaphore, #tpu.memory_space<semaphore_mem>>)
      %dma_start3A_189 = arith.constant 0 : i32
      %dma_start3A_190 = tpu.memref_slice %arg9[%mul3A_2, %dma_start3A_189] : memref<10016x16xf32, #tpu.memory_space<hbm>> -> memref<626x16xf32, #tpu.memory_space<hbm>>
      %dma_start3A_191 = arith.constant 0 : i32
      %dma_start3A_192 = tpu.memref_slice %arg11[%mul3A_2, %dma_start3A_191] : memref<10016x16xf32, #tpu.memory_space<vmem_shared>> -> memref<626x16xf32, #tpu.memory_space<vmem_shared>>
      tpu.enqueue_dma source(%dma_start3A_192 : memref<626x16xf32, #tpu.memory_space<vmem_shared>>) target(%dma_start3A_190 : memref<626x16xf32, #tpu.memory_space<hbm>>) target_semaphore(%arg21 : memref<!tpu.dma_semaphore, #tpu.memory_space<semaphore_mem>>)
      %dma_wait3A_193 = arith.constant 0 : i32
      %dma_wait3A_194 = tpu.memref_slice %arg7[%mul3A_2, %dma_wait3A_193] : memref<10016x128xf32, #tpu.memory_space<hbm>> -> memref<626x128xf32, #tpu.memory_space<hbm>>
      %dma_wait3A_195 = arith.constant 0 : i32
      %dma_wait3A_196 = tpu.memref_slice %arg10[%mul3A_2, %dma_wait3A_195] : memref<10016x128xf32, #tpu.memory_space<vmem_shared>> -> memref<626x128xf32, #tpu.memory_space<vmem_shared>>
      tpu.wait_dma2 semaphore(%arg20 : memref<!tpu.dma_semaphore, #tpu.memory_space<semaphore_mem>>) src(%dma_wait3A_196 : memref<626x128xf32, #tpu.memory_space<vmem_shared>>) dst(%dma_wait3A_194 : memref<626x128xf32, #tpu.memory_space<hbm>>)
      %dma_wait3A_197 = arith.constant 0 : i32
      %dma_wait3A_198 = tpu.memref_slice %arg9[%mul3A_2, %dma_wait3A_197] : memref<10016x16xf32, #tpu.memory_space<hbm>> -> memref<626x16xf32, #tpu.memory_space<hbm>>
      %dma_wait3A_199 = arith.constant 0 : i32
      %dma_wait3A_200 = tpu.memref_slice %arg11[%mul3A_2, %dma_wait3A_199] : memref<10016x16xf32, #tpu.memory_space<vmem_shared>> -> memref<626x16xf32, #tpu.memory_space<vmem_shared>>
      tpu.wait_dma2 semaphore(%arg21 : memref<!tpu.dma_semaphore, #tpu.memory_space<semaphore_mem>>) src(%dma_wait3A_200 : memref<626x16xf32, #tpu.memory_space<vmem_shared>>) dst(%dma_wait3A_198 : memref<626x16xf32, #tpu.memory_space<hbm>>)
    } else {
    }
    return
  }
}

module attributes {stable_mosaic.version = 14 : i64} {
  func.func @_combine_body(%arg0: i32, %arg1: memref<2000x128xf32, #tpu.memory_space<vmem>>, %arg2: memref<2000x128xf32, #tpu.memory_space<vmem>>, %arg3: memref<2000x16xf32, #tpu.memory_space<vmem>>, %arg4: memref<2000x16xf32, #tpu.memory_space<vmem>>, %arg5: memref<2000x128xf32, #tpu.memory_space<vmem>>, %arg6: memref<384x128xf32, #tpu.memory_space<vmem>>, %arg7: memref<1x128xf32, #tpu.memory_space<vmem>>, %arg8: memref<2000x128xf32, #tpu.memory_space<vmem>>, %arg9: memref<1x1xf32, #tpu.memory_space<vmem>>) attributes {dimension_semantics = [#tpu.dimension_semantics<arbitrary>], iteration_bounds = array<i64: 5>, scalar_prefetch = 0 : i64, scratch_operands = 0 : i64, tpu.core_type = #tpu.core_type<tc>, window_params = [{transform_indices = @transform_0, window_bounds = array<i64: 2000, 128>}, {transform_indices = @transform_1, window_bounds = array<i64: 2000, 128>}, {transform_indices = @transform_2, window_bounds = array<i64: 2000, 16>}, {transform_indices = @transform_3, window_bounds = array<i64: 2000, 16>}, {transform_indices = @transform_4, window_bounds = array<i64: 2000, 128>}, {pipeline_mode = #tpu.pipeline_mode<synchronous>, transform_indices = @transform_5, window_bounds = array<i64: 384, 128>}, {pipeline_mode = #tpu.pipeline_mode<synchronous>, transform_indices = @transform_6, window_bounds = array<i64: 1, 128>}, {transform_indices = @transform_7, window_bounds = array<i64: 2000, 128>}, {pipeline_mode = #tpu.pipeline_mode<synchronous>, transform_indices = @transform_8, window_bounds = array<i64: 1, 1>}]} {
    %get3A = arith.constant 0 : index
    %get3A_0 = arith.constant 0 : index
    %get3A_1 = vector.load %arg1[%get3A, %get3A_0] : memref<2000x128xf32, #tpu.memory_space<vmem>>, vector<2000x128xf32>
    %get3A_2 = arith.constant 0 : index
    %get3A_3 = arith.constant 0 : index
    %get3A_4 = vector.load %arg2[%get3A_2, %get3A_3] : memref<2000x128xf32, #tpu.memory_space<vmem>>, vector<2000x128xf32>
    %add3A = arith.addf %get3A_1, %get3A_4 : vector<2000x128xf32>
    %get3A_5 = arith.constant 0 : index
    %get3A_6 = arith.constant 0 : index
    %get3A_7 = vector.load %arg3[%get3A_5, %get3A_6] : memref<2000x16xf32, #tpu.memory_space<vmem>>, vector<2000x16xf32>
    %get3A_8 = arith.constant 0 : index
    %get3A_9 = arith.constant 0 : index
    %get3A_10 = vector.load %arg4[%get3A_8, %get3A_9] : memref<2000x16xf32, #tpu.memory_space<vmem>>, vector<2000x16xf32>
    %add3A_11 = arith.addf %get3A_7, %get3A_10 : vector<2000x16xf32>
    %reduce_sum3A = arith.constant dense<0.000000e+00> : vector<2000xf32>
    %reduce_sum3A_12 = vector.multi_reduction <add>, %add3A_11, %reduce_sum3A [1] : vector<2000x16xf32> to vector<2000xf32>
    %broadcast_in_dim3A = vector.shape_cast %reduce_sum3A_12 : vector<2000xf32> to vector<2000x1xf32>
    %mul3A = arith.constant 6.250000e-02 : f32
    %mul3A_13 = vector.broadcast %mul3A : f32 to vector<2000x1xf32>
    %mul3A_14 = arith.mulf %broadcast_in_dim3A, %mul3A_13 : vector<2000x1xf32>
    %max3A = arith.constant 1.000000e+00 : f32
    %max3A_15 = vector.broadcast %max3A : f32 to vector<2000x1xf32>
    %max3A_16 = arith.maximumf %mul3A_14, %max3A_15 : vector<2000x1xf32>
    %div3A = vector.broadcast %max3A_16 : vector<2000x1xf32> to vector<2000x128xf32>
    %div3A_17 = arith.divf %add3A, %div3A : vector<2000x128xf32>
    %get3A_18 = arith.constant 0 : index
    %get3A_19 = arith.constant 0 : index
    %get3A_20 = vector.load %arg6[%get3A_18, %get3A_19] : memref<384x128xf32, #tpu.memory_space<vmem>>, vector<128x128xf32>
    %get3A_21 = arith.constant 256 : index
    %get3A_22 = arith.constant 0 : index
    %get3A_23 = vector.load %arg6[%get3A_21, %get3A_22] : memref<384x128xf32, #tpu.memory_space<vmem>>, vector<128x128xf32>
    %add3A_24 = arith.addf %get3A_20, %get3A_23 : vector<128x128xf32>
    %get3A_25 = arith.constant 128 : index
    %get3A_26 = arith.constant 0 : index
    %get3A_27 = vector.load %arg6[%get3A_25, %get3A_26] : memref<384x128xf32, #tpu.memory_space<vmem>>, vector<128x128xf32>
    %get3A_28 = arith.constant 0 : index
    %get3A_29 = arith.constant 0 : index
    %get3A_30 = vector.load %arg5[%get3A_28, %get3A_29] : memref<2000x128xf32, #tpu.memory_space<vmem>>, vector<2000x128xf32>
    %dot_general3A = arith.constant dense<0.000000e+00> : vector<2000x128xf32>
    %dot_general3A_31 = tpu.matmul %get3A_30, %add3A_24, %dot_general3A {dimension_numbers = #tpu.dot_dimension_numbers<[1], [0], [0], [1], [0, 0, 1, 1], [], []>, precision = #tpu.contract_precision<fp32>, transpose_lhs_hint = false} : vector<2000x128xf32>, vector<128x128xf32>, vector<2000x128xf32> -> vector<2000x128xf32>
    %dot_general3A_32 = arith.constant dense<0.000000e+00> : vector<2000x128xf32>
    %dot_general3A_33 = tpu.matmul %div3A_17, %get3A_27, %dot_general3A_32 {dimension_numbers = #tpu.dot_dimension_numbers<[1], [0], [0], [1], [0, 0, 1, 1], [], []>, precision = #tpu.contract_precision<fp32>, transpose_lhs_hint = false} : vector<2000x128xf32>, vector<128x128xf32>, vector<2000x128xf32> -> vector<2000x128xf32>
    %add3A_34 = arith.addf %dot_general3A_31, %dot_general3A_33 : vector<2000x128xf32>
    %get3A_35 = arith.constant 0 : index
    %get3A_36 = arith.constant 0 : index
    %get3A_37 = vector.load %arg7[%get3A_35, %get3A_36] : memref<1x128xf32, #tpu.memory_space<vmem>>, vector<1x128xf32>
    %add3A_38 = vector.broadcast %get3A_37 : vector<1x128xf32> to vector<2000x128xf32>
    %add3A_39 = arith.addf %add3A_34, %add3A_38 : vector<2000x128xf32>
    %tanh3A = math.tanh %add3A_39 : vector<2000x128xf32>
    %swap3A = arith.constant 0 : index
    %swap3A_40 = arith.constant 0 : index
    %swap3A_41 = vector.load %arg8[%swap3A, %swap3A_40] : memref<2000x128xf32, #tpu.memory_space<vmem>>, vector<2000x128xf32>
    tpu.vector_store %arg8[%swap3A, %swap3A_40], %tanh3A {strides = array<i32>} : memref<2000x128xf32, #tpu.memory_space<vmem>>, vector<2000x128xf32>,
    %mul3A_42 = arith.mulf %tanh3A, %tanh3A : vector<2000x128xf32>
    %reduce_sum3A_43 = vector.shape_cast %mul3A_42 : vector<2000x128xf32> to vector<1x2000x128xf32>
    %reduce_sum3A_44 = arith.constant dense<0.000000e+00> : vector<1xf32>
    %reduce_sum3A_45 = vector.multi_reduction <add>, %reduce_sum3A_43, %reduce_sum3A_44 [1, 2] : vector<1x2000x128xf32> to vector<1xf32>
    %reduce_sum3A_46 = vector.shape_cast %reduce_sum3A_45 : vector<1xf32> to vector<1x1x1xf32>
    %reduce_sum3A_47 = vector.extract %reduce_sum3A_46[0, 0, 0] : f32 from vector<1x1x1xf32>
    %broadcast_in_dim3A_48 = vector.broadcast %reduce_sum3A_47 : f32 to vector<1x1xf32>
    %eq3A = arith.constant 0 : i32
    %eq3A_49 = arith.cmpi eq, %arg0, %eq3A : i32
    %convert_element_type3A = arith.extui %eq3A_49 : i1 to i32
    %cond3A = arith.constant 0 : i32
    %cond3A_50 = arith.cmpi ne, %convert_element_type3A, %cond3A : i32
    scf.if %cond3A_50 {
      %swap3A_55 = arith.constant 0 : index
      %swap3A_56 = arith.constant 0 : index
      %swap3A_57 = vector.load %arg9[%swap3A_55, %swap3A_56] : memref<1x1xf32, #tpu.memory_space<vmem>>, vector<1x1xf32>
      tpu.vector_store %arg9[%swap3A_55, %swap3A_56], %broadcast_in_dim3A_48 {strides = array<i32>} : memref<1x1xf32, #tpu.memory_space<vmem>>, vector<1x1xf32>,
    } else {
    }
    %gt3A = arith.constant 0 : i32
    %gt3A_51 = arith.cmpi sgt, %arg0, %gt3A : i32
    %convert_element_type3A_52 = arith.extui %gt3A_51 : i1 to i32
    %cond3A_53 = arith.constant 0 : i32
    %cond3A_54 = arith.cmpi ne, %convert_element_type3A_52, %cond3A_53 : i32
    scf.if %cond3A_54 {
      %get3A_55 = arith.constant 0 : index
      %get3A_56 = arith.constant 0 : index
      %get3A_57 = vector.load %arg9[%get3A_55, %get3A_56] : memref<1x1xf32, #tpu.memory_space<vmem>>, vector<1x1xf32>
      %add3A_58 = arith.addf %get3A_57, %broadcast_in_dim3A_48 : vector<1x1xf32>
      %swap3A_59 = arith.constant 0 : index
      %swap3A_60 = arith.constant 0 : index
      %swap3A_61 = vector.load %arg9[%swap3A_59, %swap3A_60] : memref<1x1xf32, #tpu.memory_space<vmem>>, vector<1x1xf32>
      tpu.vector_store %arg9[%swap3A_59, %swap3A_60], %add3A_58 {strides = array<i32>} : memref<1x1xf32, #tpu.memory_space<vmem>>, vector<1x1xf32>,
    } else {
    }
    return
  }
  func.func @transform_0(%arg0: i32) -> (i32, i32) {
    %c0_i32 = arith.constant 0 : i32
    %c0_i32_0 = arith.constant 0 : i32
    return %arg0, %c0_i32 : i32, i32
  }
  func.func @transform_1(%arg0: i32) -> (i32, i32) {
    %c0_i32 = arith.constant 0 : i32
    %c0_i32_0 = arith.constant 0 : i32
    return %arg0, %c0_i32 : i32, i32
  }
  func.func @transform_2(%arg0: i32) -> (i32, i32) {
    %c0_i32 = arith.constant 0 : i32
    %c0_i32_0 = arith.constant 0 : i32
    return %arg0, %c0_i32 : i32, i32
  }
  func.func @transform_3(%arg0: i32) -> (i32, i32) {
    %c0_i32 = arith.constant 0 : i32
    %c0_i32_0 = arith.constant 0 : i32
    return %arg0, %c0_i32 : i32, i32
  }
  func.func @transform_4(%arg0: i32) -> (i32, i32) {
    %c0_i32 = arith.constant 0 : i32
    %c0_i32_0 = arith.constant 0 : i32
    return %arg0, %c0_i32 : i32, i32
  }
  func.func @transform_5(%arg0: i32) -> (i32, i32) {
    %c0_i32 = arith.constant 0 : i32
    %c0_i32_0 = arith.constant 0 : i32
    %c0_i32_1 = arith.constant 0 : i32
    return %c0_i32, %c0_i32_0 : i32, i32
  }
  func.func @transform_6(%arg0: i32) -> (i32, i32) {
    %c0_i32 = arith.constant 0 : i32
    %c0_i32_0 = arith.constant 0 : i32
    %c0_i32_1 = arith.constant 0 : i32
    return %c0_i32, %c0_i32_0 : i32, i32
  }
  func.func @transform_7(%arg0: i32) -> (i32, i32) {
    %c0_i32 = arith.constant 0 : i32
    %c0_i32_0 = arith.constant 0 : i32
    return %arg0, %c0_i32 : i32, i32
  }
  func.func @transform_8(%arg0: i32) -> (i32, i32) {
    %c0_i32 = arith.constant 0 : i32
    %c0_i32_0 = arith.constant 0 : i32
    %c0_i32_1 = arith.constant 0 : i32
    return %c0_i32, %c0_i32_0 : i32, i32
  }
}

module attributes {stable_mosaic.version = 14 : i64} {
  func.func @_scale_body(%arg0: i32, %arg1: memref<2000x128xf32, #tpu.memory_space<vmem>>, %arg2: memref<1x1xf32, #tpu.memory_space<vmem>>, %arg3: memref<2000x128xf32, #tpu.memory_space<vmem>>) attributes {dimension_semantics = [#tpu.dimension_semantics<arbitrary>], iteration_bounds = array<i64: 5>, scalar_prefetch = 0 : i64, scratch_operands = 0 : i64, tpu.core_type = #tpu.core_type<tc>, window_params = [{transform_indices = @transform_0, window_bounds = array<i64: 2000, 128>}, {pipeline_mode = #tpu.pipeline_mode<synchronous>, transform_indices = @transform_1, window_bounds = array<i64: 1, 1>}, {transform_indices = @transform_2, window_bounds = array<i64: 2000, 128>}]} {
    %get3A = arith.constant 0 : index
    %get3A_0 = arith.constant 0 : index
    %get3A_1 = vector.load %arg1[%get3A, %get3A_0] : memref<2000x128xf32, #tpu.memory_space<vmem>>, vector<2000x128xf32>
    %get3A_2 = arith.constant 0 : index
    %get3A_3 = arith.constant 0 : index
    %get3A_4 = vector.load %arg2[%get3A_2, %get3A_3] : memref<1x1xf32, #tpu.memory_space<vmem>>, vector<1x1xf32>
    %rsqrt3A = math.rsqrt %get3A_4 : vector<1x1xf32>
    %mul3A = vector.broadcast %rsqrt3A : vector<1x1xf32> to vector<2000x128xf32>
    %mul3A_5 = arith.mulf %get3A_1, %mul3A : vector<2000x128xf32>
    %swap3A = arith.constant 0 : index
    %swap3A_6 = arith.constant 0 : index
    %swap3A_7 = vector.load %arg3[%swap3A, %swap3A_6] : memref<2000x128xf32, #tpu.memory_space<vmem>>, vector<2000x128xf32>
    tpu.vector_store %arg3[%swap3A, %swap3A_6], %mul3A_5 {strides = array<i32>} : memref<2000x128xf32, #tpu.memory_space<vmem>>, vector<2000x128xf32>,
    return
  }
  func.func @transform_0(%arg0: i32) -> (i32, i32) {
    %c0_i32 = arith.constant 0 : i32
    %c0_i32_0 = arith.constant 0 : i32
    return %arg0, %c0_i32 : i32, i32
  }
  func.func @transform_1(%arg0: i32) -> (i32, i32) {
    %c0_i32 = arith.constant 0 : i32
    %c0_i32_0 = arith.constant 0 : i32
    %c0_i32_1 = arith.constant 0 : i32
    return %c0_i32, %c0_i32_0 : i32, i32
  }
  func.func @transform_2(%arg0: i32) -> (i32, i32) {
    %c0_i32 = arith.constant 0 : i32
    %c0_i32_0 = arith.constant 0 : i32
    return %arg0, %c0_i32 : i32, i32
  }
}

</mosaic_0001>

<sc_bundles>
// kernel: kernel.5.cloned.1.call-start
scs
__scs_entry_jumppad:
0x0: {  	(pc) =	sbr.rel $0x88, $3  }
0x1: {  	(tag) =	ssettag $0x0;
	lr =	simm.s32 $0x1  }
0x2: {  	[smem:$0x3F9D] =	sst lr;
	_ =	strace $0xD0000000  }
0x3: {  	_ = 	snop  }
0x4: {  	_ = 	snop  }
0x5: {  	_ = 	snop  }
0x6: {  	_ = 	snop  }
0x7: {  	_ = 	snop  }
__scs_overlays_trampoline_lowered:
0x8: {  	[smem:$0x3FAC] =	sst s0  }
0x9: {  	[smem:$0x3FAD] =	sst s1  }
0xa: {  	[smem:$0x3FAE] =	sst s2  }
0xb: {  	[smem:$0x3FAF] =	sst s3  }
0xc: {  	[smem:$0x3FB0] =	sst s4  }
0xd: {  	[smem:$0x3FB1] =	sst s5  }
0xe: {  	[smem:$0x3FB2] =	sst s6  }
0xf: {  	[smem:$0x3FB3] =	sst s7  }
0x10: {  	[smem:$0x3FB4] =	sst s8  }
0x11: {  	[smem:$0x3FB5] =	sst s9;
	s0 =	simm.s32 @!p0 $0x0  }
0x12: {  	s1 =	sld [smem:$0x3F9B];
	s0 =	simm.s32 @p0 $0x1  }
0x13: {  	[smem:$0x3FB6] =	sst s0;
	s0 =	simm.s32 @!p1 $0x0  }
0x14: {  	s2 =	sld [smem:$0x3F9A];
	s0 =	simm.s32 @p1 $0x1  }
0x15: {  	[smem:$0x3FB7] =	sst s0;
	s0 =	simm.s32 @!p2 $0x0  }
0x16: {  	s3 =	sld [smem:$0x3FDB];
	s0 =	simm.s32 @p2 $0x1  }
0x17: {  	s4 =	simm.s32 $0x1BF5;
	[smem:$0x3FB9] =	sst s0  }
0x18: {  	s0 =	sld [smem:$0x3F9C];
	_ =	swait.ge [sflag:s4], $0x0  }
0x19: {  	s7 =	sld [smem:$0x3F9D]  }
0x1a: {  	s8 =	sadd.s32 $0xFFFFE003, lr  }
0x1b: {  	s9 =	sadd.s32 $0xFFFFFEF7, lr;
	s5 =	simm.s32 $0xFFFFFFFF;
	p2 =	slt.u32 s8, $0xFFFFF086  }
0x1c: {  	p1 =	slt.u32 s9, $0xF7A;
	s5 =	simm.s32 @!p2 $0x0  }
0x1d: {  	s5 =	simm.s32 @p1 $0x1;
	p0 =	seq.s32 s7, s2  }
0x1e: {  	s7 =	smul.u32 @!p0 $0xF7A, s2;
	p2 =	seq.s32 @!p0 s5, $0x0  }
0x1f: {  	s9 =	smul.u32 $0xF7A, s1;
	s8 =	simm.s32 @!p0 $0x1BF5;
	p2 =	por !p2, p0  }
0x20: {  	[sflag:s8] =	ssyncset.s32 @!p0 $0xFFFFF086;
	s6 =	sadd.s32 @!p0 s3, s7;
	s7 =	simm.s32 @!p0 $0x108  }
0x21: {  	s3 =	sadd.s32 s3, s9;
	s6 =	sadd.s32 @!p0 $0x88, s6;
	s7 =	simm.s32 @p2 $0x1082  }
0x22: {  	[simem:s7], [sflag:s8] =	dma.local @!p0 [hbm:s6], $0xF7A  }
0x23: {  	s9 =	sor.u32 $0xD0000000, s2;
	s6 =	simm.s32 $0x108;
	_ =	swait.ge @!p0 [sflag:s8], $0x0  }
0x24: {  	s3 =	sadd.s32 $0x88, s3;
	s6 =	simm.s32 @!p1 $0x1082;
	[sflag:s4] =	ssyncset.s32 $0xFFFFF086  }
0x25: {  	[simem:s6], [sflag:s4] =	dma.local [hbm:s3], $0xF7A  }
0x26: {  	[smem:$0x3F9D] =	sst s1;
	(tag) =	ssettag s2;
	_ =	strace s9  }
0x27: {  	s1 =	sld [smem:$0x3FAD]  }
0x28: {  	s2 =	sld [smem:$0x3FAE]  }
0x29: {  	s4 =	sld [smem:$0x3FB0]  }
0x2a: {  	p0 =	seq.s32 s5, $0x0;
	s5 =	sld [smem:$0x3FB1]  }
0x2b: {  	s6 =	sld [smem:$0x3FB2]  }
0x2c: {  	s7 =	sld [smem:$0x3FB3]  }
0x2d: {  	s3 =	simm.s32 $0x108;
	s8 =	sld [smem:$0x3FB4]  }
0x2e: {  	s3 =	simm.s32 @!p0 $0x1082;
	s9 =	sld [smem:$0x3FB5]  }
0x2f: {  	lr =	sadd.s32 s0, s3;
	s0 =	sld [smem:$0x3FAC]  }
0x30: {  	s3 =	sld [smem:$0x3FAF]  }
0x31: {  	[smem:$0x3FB8] =	sst s10  }
0x32: {  	s10 =	sld [smem:$0x3FB6];
	_ =	sdelay $0x3  }
0x33: {  	p0 =	seq.s32 s10, $0x1;
	s10 =	sld [smem:$0x3FB8];
	_ =	sdelay $0x3  }
0x34: {  	[smem:$0x3FB8] =	sst s10  }
0x35: {  	s10 =	sld [smem:$0x3FB7];
	_ =	sdelay $0x3  }
0x36: {  	p1 =	seq.s32 s10, $0x1;
	s10 =	sld [smem:$0x3FB8];
	_ =	sdelay $0x3  }
0x37: {  	[smem:$0x3FB8] =	sst s10  }
0x38: {  	s10 =	sld [smem:$0x3FB9]  }
0x39: {  	_ = 	snop;
	(pc) =	sbr.ind lr, $3  }
0x3a: {  	_ = 	snop  }
0x3b: {  	_ = 	snop  }
0x3c: {  	p2 =	seq.s32 s10, $0x1;
	s10 =	sld [smem:$0x3FB8]  }
0x3d: {  	_ =	shalt  }
0x3e: {  	_ =	shalt  }
0x3f: {  	_ =	shalt  }
0x40: {  	_ =	shalt  }
0x41: {  	_ =	shalt  }
0x42: {  	_ =	shalt  }
0x43: {  	_ =	shalt  }
0x44: {  	_ =	shalt  }
0x45: {  	_ =	shalt  }
0x46: {  	_ =	shalt  }
0x47: {  	_ =	shalt  }
0x48: {  	_ =	shalt  }
0x49: {  	_ =	shalt  }
0x4a: {  	_ =	shalt  }
0x4b: {  	_ =	shalt  }
0x4c: {  	_ =	shalt  }
0x4d: {  	_ =	shalt  }
0x4e: {  	_ =	shalt  }
0x4f: {  	_ =	shalt  }
0x50: {  	_ =	shalt  }
0x51: {  	_ =	shalt  }
0x52: {  	_ =	shalt  }
0x53: {  	_ =	shalt  }
0x54: {  	_ =	shalt  }
0x55: {  	_ =	shalt  }
0x56: {  	_ =	shalt  }
0x57: {  	_ =	shalt  }
0x58: {  	_ =	shalt  }
0x59: {  	_ =	shalt  }
0x5a: {  	_ =	shalt  }
0x5b: {  	_ =	shalt  }
0x5c: {  	_ =	shalt  }
0x5d: {  	_ =	shalt  }
0x5e: {  	_ =	shalt  }
0x5f: {  	_ =	shalt  }
0x60: {  	_ =	shalt  }
0x61: {  	_ =	shalt  }
0x62: {  	_ =	shalt  }
0x63: {  	_ =	shalt  }
0x64: {  	_ =	shalt  }
0x65: {  	_ =	shalt  }
0x66: {  	_ =	shalt  }
0x67: {  	_ =	shalt  }
0x68: {  	_ =	shalt  }
0x69: {  	_ =	shalt  }
0x6a: {  	_ =	shalt  }
0x6b: {  	_ =	shalt  }
0x6c: {  	_ =	shalt  }
0x6d: {  	_ =	shalt  }
0x6e: {  	_ =	shalt  }
0x6f: {  	_ =	shalt  }
0x70: {  	_ =	shalt  }
0x71: {  	_ =	shalt  }
0x72: {  	_ =	shalt  }
0x73: {  	_ =	shalt  }
0x74: {  	_ =	shalt  }
0x75: {  	_ =	shalt  }
0x76: {  	_ =	shalt  }
0x77: {  	_ =	shalt  }
0x78: {  	_ =	shalt  }
0x79: {  	_ =	shalt  }
0x7a: {  	_ =	shalt  }
0x7b: {  	_ =	shalt  }
0x7c: {  	_ =	shalt  }
0x7d: {  	_ =	shalt  }
0x7e: {  	_ =	shalt  }
0x7f: {  	_ =	shalt  }
0x80: {  	_ =	shalt  }
0x81: {  	_ =	shalt  }
0x82: {  	_ =	shalt  }
0x83: {  	_ =	shalt  }
0x84: {  	_ =	shalt  }
0x85: {  	_ =	shalt  }
0x86: {  	_ =	shalt  }
0x87: {  	_ =	shalt  }
.Lfunc_end0:
.L_simem_size_0:
called_computation_lowered:
.L_overlay_start_0:
0x88: {  	s2 =	sld [smem:$0x3FD9]  }
0x89: {  	s3 =	sld [smem:$0x3FFE];
	_ =	sdelay $0x1  }
0x8a: {  	s1 =	srdreg.scid  }
0x8b: {  	s0 =	sand.u32 $0x1, s1  }
0x8c: {  	s17 =	sshll.u32 s0, $0xA;
	s2 =	sadd.s32 s3, s2  }
0x8d: {  	s2 =	sadd.s32 s2, s17  }
0x8e: {  	[smem:$0x3FC4] =	sst s2  }
0x8f: {  	_ = 	snop  }
0x90: {  	s2 =	sld [smem:$0x3FC9]  }
0x91: {  	s18 =	sld [smem:$0x3FD0];
	(tm) =	ssettm $0x1  }
0x92: {  	s4 =	sld [smem:$0x3FFB];
	_ =	sdelay $0x3  }
0x93: {  	_ =	strace s4  }
0x94: {  	s4 =	sld [smem:$0x3FFC];
	_ =	sdelay $0x3  }
0x95: {  	_ =	strace s4  }
0x96: {  	s4 =	sld [smem:$0x3FFD];
	_ =	sdelay $0x3  }
0x97: {  	_ =	strace s4  }
0x98: {  	_ =	strace $0x8FFFFFFF  }
0x99: {  	s19 =	sld [smem:$0x3FDB];
	_ =	sdelay $0x1  }
0x9a: {  	s5 =	simm.s32 $_scs_section_size  }
0x9b: {  	s6 =	simm.s32 $_size__tile_overlayer_lowered;
	s7 =	simm.s32 $_tile_overlayer_lowered  }
0x9c: {  	s22 =	simm.s32 $0x1BFF;
	s21 =	sshll.u32 s7, $0x1;
	s4 =	sadd.s32 s5, s19  }
0x9d: {  	s8 =	simm.s32 $0x0;
	s20 =	sshll.u32 s6, $0x1;
	s6 =	sadd.s32 s21, s4  }
0x9e: {  	[timem:s8], [sflag:s22] =	dma.local [hbm:s6], s20  }
0x9f: {  	_ =	swait.ge [sflag:s22], s20  }
0xa0: {  	s5 =	ssub.s32 $0x0, s20;
	[sflag:s22] =	ssyncset.done $0x0  }
0xa1: {  	[sflag:s22] =	ssyncadd.s32 s5;
	_ =	sdelay $0x1  }
0xa2: {  	s23 =	simm.s32 $0x1B8B  }
0xa3: {  	_ =	swait.ge [sflag:s23], $0x1  }
0xa4: {  	[sflag:s23] =	ssyncset.done $0x0  }
0xa5: {  	s25 =	simm.s32 $0x1B8E;
	s24 =	sld [smem:$0x3FFE];
	[sflag:s23] =	ssyncadd.s32 $0xFFFFFFFF  }
0xa6: {  	s26 =	simm.s32 $execute0_lowered;
	[smem:$0x3FD2] =	sst s25  }
0xa7: {  	s6 =	sshll.u32 s26, $0x1;
	_ =	strace $0x80000046;
	[dreg:$0x1] =	wrdreg $0xFFFFFFFF  }
0xa8: {  	s28 =	simm.s32 $_size_execute0_lowered;
	s4 =	sadd.s32 s4, s6;
	[dreg:$0x0] =	wrdreg $0x0  }
0xa9: {  	s6 =	sshll.u32 s28, $0x1;
	[dreg:$0x2] =	wrdreg s4  }
0xaa: {  	[dreg:$0x3] =	wrdreg s6  }
0xab: {  	[dreg:$0x4] =	wrdreg $0xC0  }
0xac: {  	_ =	task [dreg:s8], $0x5FFFF  }
0xad: {  	[dreg:$0x1] =	wrdreg $0xFFFFFFFF  }
0xae: {  	[dreg:$0x0] =	wrdreg $0x60  }
0xaf: {  	[dreg:$0x2] =	wrdreg s2  }
0xb0: {  	[dreg:$0x3] =	wrdreg s18  }
0xb1: {  	[dreg:$0x4] =	wrdreg s24  }
0xb2: {  	[dreg:$0x5] =	wrdreg $0x0  }
0xb3: {  	[dreg:$0x6] =	wrdreg $0x139000  }
0xb4: {  	[dreg:$0x7] =	wrdreg $0x9  }
0xb5: {  	_ =	task.clear_ibuf [dreg:s8], $0x8FFFF;
	_ =	strace $0x90000046  }
0xb6: {  	s29 =	simm.s32 $0x9;
	_ =	strace $0x80000048  }
0xb7: {  	_ =	swait.ge [sflag:s29], $0x1  }
0xb8: {  	[sflag:s29] =	ssyncadd.s32 $0xFFFFFFFF  }
0xb9: {  	_ =	strace $0x90000048  }
0xba: {  	_ =	sfence  }
0xbb: {  	s30 =	sld [smem:$0x0];
	_ =	sdelay $0x2  }
0xbc: {  	s31 =	sshll.u32 s1, $0xD;
	s1 =	sshrl.u32 s1, $0x2  }
0xbd: {  	s3 =	sand.u32 $0x4000, s31;
	s1 =	sadd.s32 s1, s30  }
0xbe: {  	s0 =	sor.u32 s3, s0;
	s1 =	sshll.u32 s1, $0x11  }
0xbf: {  	s0 =	sor.u32 s1, s0  }
0xc0: {  	s0 =	sadd.s32 $0x8F2B, s0  }
0xc1: {  	[sflag:s0] =	ssyncadd.remote.s32 $0x1  }
0xc2: {  	_ =	sfence.sel $0xFFFF  }
0xc3: {  	[dreg:$0x0] =	wrdreg $0xFFFFFFFF;
	(pc) =	sbr.abs _section_cstart, $3  }
0xc4: {  	[dreg:$0x1] =	wrdreg $0xFFFFFFFF  }
0xc5: {  	_ =	task.clear_ibuf [dreg:s8], $0x2FFFF;
	_ =	strace $0x9FFFFFFF  }
0xc6: {  	(tm) =	ssettm $0x7FFFFFFF  }
0xc7: {  	_ =	shalt  }
tec
execute0_lowered:
.L_overlay_start_1:
0x0: {  	(tag) =	ssettag $0x1  }
0x1: {  	s1 =	rddreg [dreg:$0x0]  }
0x2: {  	s0 =	rddreg [dreg:$0x1]  }
0x3: {  	s2 =	rddreg [dreg:$0x2]  }
0x4: {  	s3 =	rddreg [dreg:$0x3]  }
0x5: {  	s4 =	rddreg [dreg:$0x4];
	s5 =	simm.s32 $0x0  }
0x6: {  	s22 =	stileid.u32;
	s6 =	srdreg.scid;
	s28 =	simm.s32 $0x4  }
0x7: {  	s29 =	simm.s32 $0x1;
	s30 =	simm.s32 $0x40;
	s23 =	smul.u32 $0x13900, s22  }
0x8: {  	s31 =	simm.s32 $0x2;
	[smem:$0x7FF] =	sst s5;
	s7 =	smul.u32 $0x2720, s22  }
0x9: {  	s8 =	sand.u32 $0x1, s6;
	s24 =	sshll.u32 s22, $0x1;
	s14 =	sadd.s32 $0x37E00, s2  }
0xa: {  	s15 =	sadd.s32 $0x5F000, s2;
	s17 =	sadd.s32 $0x2DE00, s2;
	_ =	strace $0x80000047  }
0xb: {  	s6 =	sor.u32 s8, s24;
	s25 =	ssub.s32 $0x2, s8;
	p0 =	seq.s32 s8, $0x1  }
0xc: {  	s9 =	sshrl.u32 s23, $0x3;
	s10 =	sshrl.u32 s7, $0x3;
	s12 =	smul.u32 $0x9D, s6  }
0xd: {  	s18 =	sshrl.u32 s25, $0x1;
	s5 =	sadd.s32 s23, s3;
	s23 =	smul.u32 $0xFFFFFEC6, s22  }
0xe: {  	s7 =	sadd.s32 s7, s4;
	s14 =	smov.u32 @p0 s15;
	s15 =	smul.u32 $0x13A00, s22  }
0xf: {  	s11 =	sadd.s32 s9, s2;
	s13 =	sadd.s32 s10, s2;
	[dreg:$0x8] =	wrdreg s5  }
0x10: {  	s2 =	sadd.s32 $0x32E00, s2;
	s21 =	ssub.s32 s25, s18;
	[dreg:$0xb] =	wrdreg s7  }
0x11: {  	s9 =	sadd.s32 s14, s9;
	s14 =	smul.u32 $0x9D, s8;
	s16 =	smin.u32 s12, $0x12EB  }
0x12: {  	s19 =	ssub.s32 $0x1388, s12;
	s11 =	sadd.s32 $0x6C00, s11;
	s25 =	sadd.s32 $0x1C00, s13  }
0x13: {  	[dreg:$0xe] =	wrdreg s9;
	s13 =	smul.u32 $0x13A, s22;
	s17 =	smov.u32 @p0 s2  }
0x14: {  	s20 =	sshll.u32 s16, $0x3;
	s6 =	smin.u32 s19, $0x9D;
	[dreg:$0xa] =	wrdreg s11  }
0x15: {  	s19 =	smul.u32 $0xFFFFFF63, s8;
	[dreg:$0xc] =	wrdreg s25;
	s10 =	sadd.s32 s17, s10  }
0x16: {  	s26 =	sadd.s32 s0, s20;
	s0 =	ssub.s32 s12, s16;
	s20 =	sshll.u32 s22, $0x6  }
0x17: {  	[dreg:$0xf] =	wrdreg s10;
	s16 =	smul.u32 $0x9D00, s8;
	s2 =	sadd.s32 s14, s13  }
0x18: {  	s17 =	sand.u32 $0x1, s6;
	[dreg:$0x6] =	wrdreg s26;
	s18 =	sadd.s32 $0x9C40, s26  }
0x19: {  	[dreg:$0x9] =	wrdreg s20;
	s12 =	sor.u32 $0x1C03, s20;
	s5 =	sadd.s32 s23, s19  }
0x1a: {  	s24 =	sshll.u32 s0, $0x8;
	s0 =	sadd.s32 s0, s6;
	s9 =	smin.u32 s2, $0x12EB  }
0x1b: {  	s20 =	smax.u32 s21, $0x1;
	p0 =	seq.s32 s17, $0x0;
	[dreg:$0x7] =	wrdreg s18  }
0x1c: {  	s7 =	sshra.s32 s24, $0x2;
	s0 =	sshll.u32 s0, $0x8;
	s5 =	sadd.s32 $0x1388, s5  }
0x1d: {  	s2 =	ssub.s32 s2, s9;
	s25 =	sshll.u32 s9, $0x8;
	s26 =	sadd.s32 $0x16020, s7  }
0x1e: {  	s18 =	sadd.s32 $0x16060, s7;
	s0 =	sadd.s32 $0xFFFFFF00, s0;
	s7 =	sadd.s32 s16, s15  }
0x1f: {  	s24 =	smin.u32 s5, $0x9D;
	s2 =	sshll.u32 s2, $0x8;
	[dreg:$0xd] =	wrdreg s26  }
0x20: {  	s0 =	sshra.s32 s0, $0x2;
	s2 =	sshra.s32 s2, $0x2;
	s5 =	ssub.s32 s7, s25  }
0x21: {  	s25 =	simm.s32 $0x5;
	s19 =	sadd.s32 $0x18760, s0;
	s0 =	sshll.u32 s24, $0x8  }
0x22: {  	s22 =	sadd.s32 $0x18760, s2;
	s26 =	sshra.s32 s5, $0x2;
	s2 =	simm.s32 $0x1AEA0  }
0x23: {  	v1 =	vlaneseq.u32;
	s24 =	simm.s32 $0x1CEA0;
	s5 =	simm.s32 $0x0;
	s21 =	sand.u32 $0xFE00, s0  }
0x24: {  	v0 =	vimm.f32 $1.000000000e+00;
	v1 =	vor.u32 $0x2710, v1;
	s23 =	sadd.s32 $0x16020, s26;
	s26 =	simm.s32 $0x3;
	s0 =	simm.s32 $0x1EEA0  }
.LBB2_1:
0x25: {  	s8 =	rddreg [dreg:$0x6]  }
0x26: {  	s11 =	rddreg [dreg:$0x7]  }
0x27: {  	s7 =	simm.s32 $0x0;
	s9 =	simm.s32 $0x16020;
	s14 =	rddreg [dreg:$0x8]  }
0x28: {  	[tilespmem:s9], [sflag:$0x1] =	stream.linear.gather [hbm4b:s8+s7], $0x2740, $0x38;
	[tilespmem:$0x1F2E0] =	vst v63  }
0x29: {  	s13 =	simm.s32 $0x18760;
	s15 =	rddreg [dreg:$0xa];
	s8 =	sshrl.u32 s14, $0x3  }
0x2a: {  	[tilespmem:s13], [sflag:$0x2] =	stream.linear.gather [hbm4b:s11+s7], $0x2740, $0x38;
	[tilespmem:$0x1F2E0] =	vst v63  }
0x2b: {  	[spmem:s8], [sflag:s12] =	dma.local [hbm:s15], $0x2720  }
0x2c: {  	s7 =	rddreg [dreg:$0x9]  }
0x2d: {  	s16 =	rddreg [dreg:$0xb]  }
0x2e: {  	s10 =	simm.s32 $0x0;
	s17 =	rddreg [dreg:$0xc]  }
0x2f: {  	s9 =	sor.u32 $0x1C04, s7;
	s11 =	sshrl.u32 s16, $0x3;
	s7 =	simm.s32 $0x40  }
0x30: {  	[spmem:s11], [sflag:s9] =	dma.local [hbm:s17], $0x4E4  }
.LBB2_2:
0x31: {  	p1 =	sne.s32 s7, $0xFC0;
	[tilespmem:s10+$0x1EEA0] =	vst v0;
	s10 =	smov.u32 s7;
	s7 =	sadd.s32 $0x40, s7  }
.Ltmp0:
0x32: {  	(pc) =	sbr.rel @p1 .LBB2_2-.Ltmp0, $2  }
0x33: {  	_ =	sdelay $0x2  }
0x34: {  	s10 =	sshra.s32 s10, $0x2  }
0x35: {  	[tilespmem:s10+$0x1EEA0] =	vst v0  }
0x36: {  	_ =	swait.ge [sflag:s26], $0x2720  }
0x37: {  	[sflag:s26] =	ssyncset.done $0x0  }
0x38: {  	[sflag:s26] =	ssyncadd.s32 $0xFFFFD8E0  }
0x39: {  	_ =	swait.ge [sflag:s28], $0x4E4  }
0x3a: {  	[sflag:s28] =	ssyncset.done $0x0  }
0x3b: {  	[sflag:s28] =	ssyncadd.s32 $0xFFFFFB1C  }
0x3c: {  	[bflag:$0x0] =	sbarrier.arrive $0xFFFF  }
0x3d: {  	_ =	swait.ge [sflag:s29], $0x2740  }
0x3e: {  	[sflag:s29] =	ssyncset.done $0x0  }
0x3f: {  	s7 =	simm.s32 $0x2;
	[sflag:s29] =	ssyncadd.s32 $0xFFFFD8C0  }
0x40: {  	_ =	swait.ge [sflag:s7], $0x2740  }
0x41: {  	[sflag:s7] =	ssyncset.done $0x0  }
0x42: {  	[sflag:s7] =	ssyncadd.s32 $0xFFFFD8C0  }
0x43: {  	[tilespmem:$0x1F2A0] =	vst v1  }
0x44: {  	[tilespmem:$0x1F2B0] =	vst v1  }
0x45: {  	[tilespmem:$0x1F2C0] =	vst v1  }
0x46: {  	s15 =	simm.s32 $0x1F2A0;
	[tilespmem:$0x1F2D0] =	vst v1  }
0x47: {  	[spmem:s4] =	stream.indirect.scatter.add.f32 [tilespmem:s0], [sflag:$0x4], $0x10, s15, s30, $0xb8;
	[tilespmem:$0x1F2E0] =	vst v63  }
0x48: {  	s16 =	rddreg [dreg:$0xd]  }
0x49: {  	[tilespmem:s2], [sflag:$0x1] =	stream.indirect.gather [hbm4b:s1+s30], $0x80, s16, s30, $0xb8;
	[tilespmem:$0x1F2E0] =	vst v63  }
0x4a: {  	_ = 	snop  }
0x4b: {  	[tilespmem:s24], [sflag:$0x2] =	stream.indirect.gather [hbm4b:s1+s30], $0x80, s18, s30, $0xb8;
	[tilespmem:$0x1F2E0] =	vst v63  }
0x4c: {  	_ =	swait.ge [sflag:s29], $0x2000  }
0x4d: {  	[sflag:s29] =	ssyncset.done $0x0  }
0x4e: {  	s17 =	sadd.s32 $0x0, s22;
	[sflag:s29] =	ssyncadd.s32 $0xFFFFE000  }
0x4f: {  	[spmem:s3] =	stream.indirect.scatter.add.f32 [tilespmem:s2], [sflag:$0x5], $0x80, s17, s30, $0xb8;
	[tilespmem:$0x1F2E0] =	vst v63  }
0x50: {  	_ =	swait.ge [sflag:s25], $0x2000  }
0x51: {  	[sflag:s25] =	ssyncset.done $0x0  }
0x52: {  	[sflag:s25] =	ssyncadd.s32 $0xFFFFE000  }
0x53: {  	_ =	swait.ge [sflag:s28], $0x400  }
0x54: {  	p1 =	sle.u32 s6, $0x2;
	[sflag:s28] =	ssyncset.done $0x0  }
0x55: {  	s13 =	sadd.s32 @!p1 $0x0, s23;
	[sflag:s28] =	ssyncadd.s32 $0xFFFFFC00  }
0x56: {  	[spmem:s4] =	stream.indirect.scatter.add.f32 [tilespmem:s0], [sflag:$0x4], $0x10, s17, s30, $0xb8;
	[tilespmem:$0x1F2E0] =	vst v63  }
0x57: {  	s14 =	simm.s32 @!p1 $0x1AEA0;
	s13 =	sadd.s32 @!p1 $0x80, s13;
	s15 =	simm.s32 @!p1 $0x40  }
0x58: {  	[tilespmem:s14], [sflag:$0x1] =	stream.indirect.gather @!p1 [hbm4b:s1+s15], $0x80, s13, s15, $0xb8;
	[tilespmem:$0x1F2E0] =	vst v63  }
0x59: {  	_ =	swait.ge [sflag:s31], $0x2000  }
0x5a: {  	[sflag:s31] =	ssyncset.done $0x0  }
0x5b: {  	s10 =	sadd.s32 $0x40, s17;
	[sflag:s31] =	ssyncadd.s32 $0xFFFFE000  }
0x5c: {  	[spmem:s3] =	stream.indirect.scatter.add.f32 [tilespmem:s24], [sflag:$0x5], $0x80, s10, s30, $0xb8;
	[tilespmem:$0x1F2E0] =	vst v63  }
0x5d: {  	_ =	swait.ge [sflag:s25], $0x2000  }
0x5e: {  	[sflag:s25] =	ssyncset.done $0x0  }
0x5f: {  	p1 =	sne.s32 s21, $0x200;
	[sflag:s25] =	ssyncadd.s32 $0xFFFFE000  }
.Ltmp1:
0x60: {  	_ =	swait.ge [sflag:s28], $0x400;
	(pc) =	sbr.rel @!p1 .LBB2_5-.Ltmp1, $4  }
0x61: {  	[sflag:s28] =	ssyncset.done $0x0  }
0x62: {  	p2 =	sle.u32 s6, $0x3;
	s13 =	simm.s32 $0x200;
	[sflag:s28] =	ssyncadd.s32 $0xFFFFFC00  }
0x63: {  	[spmem:s4] =	stream.indirect.scatter.add.f32 [tilespmem:s0], [sflag:$0x4], $0x10, s10, s30, $0xb8;
	[tilespmem:$0x1F2E0] =	vst v63  }
0x64: {  	s14 =	simm.s32 @!p2 $0x1CEA0;
	s15 =	sadd.s32 @!p2 $0x0, s23;
	s10 =	simm.s32 @!p2 $0x40  }
.LBB2_4:
0x65: {  	s15 =	sadd.s32 @!p2 $0xC0, s15  }
0x66: {  	s7 =	sadd.s32 $0x2, s7;
	s16 =	smov.u32 s13;
	s13 =	sadd.s32 $0x200, s13  }
0x67: {  	[tilespmem:s14], [sflag:$0x2] =	stream.indirect.gather @!p2 [hbm4b:s1+s10], $0x80, s15, s10, $0xb8;
	[tilespmem:$0x1F2E0] =	vst v63  }
0x68: {  	s10 =	sshra.s32 s16, $0x2;
	p1 =	sne.s32 s21, s13;
	_ =	swait.ge [sflag:s29], $0x2000  }
0x69: {  	s10 =	sadd.s32 s10, s22;
	[sflag:s29] =	ssyncset.done $0x0  }
0x6a: {  	[sflag:s29] =	ssyncadd.s32 $0xFFFFE000  }
0x6b: {  	[spmem:s3] =	stream.indirect.scatter.add.f32 [tilespmem:s2], [sflag:$0x5], $0x80, s10, s30, $0xb8;
	[tilespmem:$0x1F2E0] =	vst v63  }
0x6c: {  	_ =	swait.ge [sflag:s25], $0x2000  }
0x6d: {  	[sflag:s25] =	ssyncset.done $0x0  }
0x6e: {  	[sflag:s25] =	ssyncadd.s32 $0xFFFFE000  }
0x6f: {  	p2 =	sge.u32 s7, s6;
	_ =	swait.ge [sflag:s28], $0x400  }
0x70: {  	s14 =	sshra.s32 @!p2 s16, $0x2;
	s15 =	simm.s32 @!p2 $0x1AEA0;
	[sflag:s28] =	ssyncset.done $0x0  }
0x71: {  	s17 =	simm.s32 @!p2 $0x40;
	s14 =	sadd.s32 @!p2 s14, s23;
	[sflag:s28] =	ssyncadd.s32 $0xFFFFFC00  }
0x72: {  	[spmem:s4] =	stream.indirect.scatter.add.f32 [tilespmem:s0], [sflag:$0x4], $0x10, s10, s30, $0xb8;
	[tilespmem:$0x1F2E0] =	vst v63  }
0x73: {  	s14 =	sadd.s32 @!p2 $0x80, s14  }
0x74: {  	[tilespmem:s15], [sflag:$0x1] =	stream.indirect.gather @!p2 [hbm4b:s1+s17], $0x80, s14, s17, $0xb8;
	[tilespmem:$0x1F2E0] =	vst v63  }
0x75: {  	_ =	swait.ge [sflag:s31], $0x2000  }
0x76: {  	s17 =	sadd.s32 $0x40, s10;
	[sflag:s31] =	ssyncset.done $0x0  }
0x77: {  	[sflag:s31] =	ssyncadd.s32 $0xFFFFE000  }
0x78: {  	[spmem:s3] =	stream.indirect.scatter.add.f32 [tilespmem:s24], [sflag:$0x5], $0x80, s17, s30, $0xb8;
	[tilespmem:$0x1F2E0] =	vst v63  }
0x79: {  	_ =	swait.ge [sflag:s25], $0x2000  }
0x7a: {  	[sflag:s25] =	ssyncset.done $0x0  }
.Ltmp2:
0x7b: {  	s10 =	sadd.s32 $0x1, s7;
	[sflag:s25] =	ssyncadd.s32 $0xFFFFE000;
	(pc) =	sbr.rel @p1 .LBB2_4-.Ltmp2, $4  }
0x7c: {  	p2 =	sge.u32 s10, s6;
	_ =	swait.ge [sflag:s28], $0x400  }
0x7d: {  	s10 =	sshra.s32 @!p2 s16, $0x2;
	s14 =	simm.s32 @!p2 $0x1CEA0;
	[sflag:s28] =	ssyncset.done $0x0  }
0x7e: {  	s15 =	sadd.s32 @!p2 s10, s23;
	s10 =	simm.s32 @!p2 $0x40;
	[sflag:s28] =	ssyncadd.s32 $0xFFFFFC00  }
0x7f: {  	[spmem:s4] =	stream.indirect.scatter.add.f32 [tilespmem:s0], [sflag:$0x4], $0x10, s17, s30, $0xb8;
	[tilespmem:$0x1F2E0] =	vst v63  }
.LBB2_5:
0x80: {  	s7 =	sadd.s32 @!p2 $0xC0, s15  }
0x81: {  	[tilespmem:s14], [sflag:$0x2] =	stream.indirect.gather @!p2 [hbm4b:s1+s10], $0x80, s7, s10, $0xb8;
	[tilespmem:$0x1F2E0] =	vst v63  }
0x82: {  	s7 =	simm.s32 @!p0 $0x1  }
0x83: {  	_ =	swait.ge @!p0 [sflag:s7], $0x2000  }
0x84: {  	[sflag:s7] =	ssyncset.done @!p0 $0x0  }
0x85: {  	s10 =	simm.s32 @!p0 $0x1AEA0;
	[sflag:s7] =	ssyncadd.s32 @!p0 $0xFFFFE000;
	s7 =	simm.s32 @!p0 $0x40  }
0x86: {  	[spmem:s3] =	stream.indirect.scatter.add.f32 @!p0 [tilespmem:s10], [sflag:$0x5], $0x80, s19, s7, $0xb8;
	[tilespmem:$0x1F2E0] =	vst v63  }
0x87: {  	s10 =	simm.s32 @!p0 $0x5  }
0x88: {  	_ =	swait.ge @!p0 [sflag:s10], $0x2000  }
0x89: {  	[sflag:s10] =	ssyncset.done @!p0 $0x0  }
0x8a: {  	[sflag:s10] =	ssyncadd.s32 @!p0 $0xFFFFE000;
	s10 =	simm.s32 @!p0 $0x4  }
0x8b: {  	_ =	swait.ge @!p0 [sflag:s10], $0x400  }
0x8c: {  	[sflag:s10] =	ssyncset.done @!p0 $0x0  }
0x8d: {  	[sflag:s10] =	ssyncadd.s32 @!p0 $0xFFFFFC00;
	s10 =	simm.s32 @!p0 $0x1EEA0  }
0x8e: {  	[spmem:s4] =	stream.indirect.scatter.add.f32 @!p0 [tilespmem:s10], [sflag:$0x4], $0x10, s19, s7, $0xb8;
	[tilespmem:$0x1F2E0] =	vst v63  }
0x8f: {  	_ =	swait.ge [sflag:s28], $0x400  }
0x90: {  	[sflag:s28] =	ssyncset.done $0x0  }
0x91: {  	[sflag:s28] =	ssyncadd.s32 $0xFFFFFC00  }
0x92: {  	[bflag:$0x0] =	sbarrier.arrive $0xFFFF  }
0x93: {  	s17 =	rddreg [dreg:$0xe]  }
0x94: {  	[hbm:s17], [sflag:s12] =	dma.local [spmem:s8], $0x2720  }
0x95: {  	s5 =	sadd.s32 $0x1, s5;
	s7 =	rddreg [dreg:$0xf]  }
0x96: {  	[hbm:s7], [sflag:s9] =	dma.local [spmem:s11], $0x4E4  }
0x97: {  	p1 =	sne.s32 s5, s20;
	_ =	swait.ge [sflag:s26], $0x2720  }
.Ltmp3:
0x98: {  	[sflag:s26] =	ssyncset.done $0x0;
	(pc) =	sbr.rel @p1 .LBB2_1-.Ltmp3, $4  }
0x99: {  	[sflag:s26] =	ssyncadd.s32 $0xFFFFD8E0  }
0x9a: {  	_ =	swait.ge [sflag:s28], $0x4E4  }
0x9b: {  	[sflag:s28] =	ssyncset.done $0x0  }
0x9c: {  	[sflag:s28] =	ssyncadd.s32 $0xFFFFFB1C  }
0x9d: {  	_ =	sfence.sel $0x180000  }
0x9e: {  	[bflag:$0x0] =	sbarrier.arrive $0xFFFF  }
0x9f: {  	_ =	strace $0x90000047  }
0xa0: {  	s0 =	stileid.u32;
	[bflag:$0x2] =	sbarrier.arrive $0xFFFF  }
0xa1: {  	p0 =	sne.s32 s0, $0x0;
	s0 =	rddreg [dreg:$0x5]  }
0xa2: {  	s0 =	sadd.s32 @!p0 $0x100000, s0  }
0xa3: {  	[sflag:s0] =	ssyncadd.tile.s32 @!p0 $0x1;
	_ =	shalt  }
.Lfunc_end2:
_tile_overlayer_lowered:
.L_overlay_start_2:
0xa4: {  	(tag) =	ssettag $0x2  }
0xa5: {  	s0 =	rddreg [dreg:$0x0];
	s2 =	stileid.u32  }
0xa6: {  	s1 =	rddreg [dreg:$0x1];
	p0 =	sne.s32 s2, $0x0  }
0xa7: {  	s3 =	rddreg [dreg:$0x2];
	[bflag:$0x3] =	sbarrier.arrive $0xFFFF;
	s2 =	simm.s32 @!p0 $0x1C05  }
0xa8: {  	[timem:s3], [sflag:s2] =	dma.local @!p0 [hbm:s0], s1  }
0xa9: {  	s0 =	simm.s32 @!p0 $0x5  }
0xaa: {  	_ =	swait.ge @!p0 [sflag:s0], s1  }
0xab: {  	s1 =	ssub.s32 @!p0 $0x0, s1;
	[sflag:s0] =	ssyncset.done @!p0 $0x0  }
0xac: {  	[sflag:s0] =	ssyncadd.s32 @!p0 s1  }
0xad: {  	[bflag:$0x3] =	sbarrier.arrive $0xFFFF  }
0xae: {  	_ =	shalt  }

</sc_bundles>
